<compile_context>
chip_gen: v7x
topology: tpu7x:2x2x1
jax: 0.10.2.dev20260603
libtpu: 0.0.44.dev20260713+nightly
codegen_flags: <defaults>
</compile_context>

<pallas_src>
import functools

import jax
import jax.numpy as jnp
from jax import lax
from jax.experimental import pallas as pl
from jax.experimental.pallas import tpu as pltpu
from jax.experimental.pallas import tpu_sc as plsc

N_NODES = 100000
N_EDGES = 3200000
D_EDGE = 16
D_NODE = 128
D_GLOBAL = 32

_RB = 25
_CK = _RB * 128
_NCH = N_EDGES // _CK
_NRB = N_EDGES // 128
_NBUF = 4


def _seg_body(ei_hbm, ea_hbm, rect_hbm, sent_hbm, *scratch):
    idx_vs = scratch[:_NBUF]
    col_vs = scratch[_NBUF:2 * _NBUF]
    (acc, semi, semc) = scratch[2 * _NBUF:]

    c = lax.axis_index("c")
    s = lax.axis_index("s")
    th = s // 8
    tr = s % 8

    z = jnp.zeros((16,), jnp.float32)

    @pl.loop(0, N_NODES // 16)
    def _(i):
        acc[pl.ds(i * 16, 16)] = z

    def issue(k, idx_v, col_v):
        @pl.when(c == 0)
        def _():
            pltpu.async_copy(ei_hbm.at[pl.ds(k * _RB, _RB), 1], idx_v, semi)

        @pl.when(c == 1)
        def _():
            pltpu.async_copy(ei_hbm.at[pl.ds(k * _RB, _RB), 0], idx_v, semi)

        pltpu.async_copy(ea_hbm.at[th, pl.ds(k * _RB, _RB), tr], col_v, semc)

    def wait(idx_v, col_v):
        pltpu.make_async_copy(ei_hbm.at[pl.ds(0, _RB), 0], idx_v, semi).wait()
        pltpu.make_async_copy(ea_hbm.at[0, pl.ds(0, _RB), 0], col_v, semc).wait()

    def compute(idx_v, col_v):
        @plsc.parallel_loop(0, _RB, unroll=2)
        def _(r):
            for j in range(8):
                idx = idx_v[r, pl.ds(j * 16, 16)]
                v = col_v[r, pl.ds(j * 16, 16)]
                plsc.addupdate_scatter(acc, [idx], v)

    for b in range(_NBUF):
        issue(b, idx_vs[b], col_vs[b])

    @pl.loop(0, _NCH, step=_NBUF)
    def _(k):
        for b in range(_NBUF):
            wait(idx_vs[b], col_vs[b])
            compute(idx_vs[b], col_vs[b])

            @pl.when(k + b + _NBUF < _NCH)
            def _():
                issue(k + b + _NBUF, idx_vs[b], col_vs[b])

    @pl.when(c == 0)
    def _():
        pltpu.sync_copy(acc, rect_hbm.at[s])

    @pl.when(c == 1)
    def _():
        pltpu.sync_copy(acc, sent_hbm.at[s])


_seg = functools.partial(
    pl.kernel,
    out_type=[jax.ShapeDtypeStruct((D_EDGE, N_NODES), jnp.float32),
              jax.ShapeDtypeStruct((D_EDGE, N_NODES), jnp.float32)],
    mesh=plsc.VectorSubcoreMesh(core_axis_name="c", subcore_axis_name="s"),
    scratch_types=[pltpu.VMEM((_RB, 128), jnp.int32)] * _NBUF
    + [pltpu.VMEM((_RB, 128), jnp.float32)] * _NBUF
    + [
        pltpu.VMEM((N_NODES,), jnp.float32),
        pltpu.SemaphoreType.DMA,
        pltpu.SemaphoreType.DMA,
    ],
    compiler_params=pltpu.CompilerParams(use_tc_tiling_on_sc=False,
                                         needs_layout_passes=False),
)(_seg_body)


_BM = 2048


def _mm_body(rect_ref, sent_ref, node_ref, g_ref, w_ref, b_ref, out_ref):
    acc = jnp.dot(node_ref[...], w_ref[2 * D_EDGE:2 * D_EDGE + D_NODE, :],
                  preferred_element_type=jnp.float32)
    acc += lax.dot_general(rect_ref[...], w_ref[:D_EDGE, :],
                           (((0,), (0,)), ((), ())),
                           preferred_element_type=jnp.float32)
    acc += lax.dot_general(sent_ref[...], w_ref[D_EDGE:2 * D_EDGE, :],
                           (((0,), (0,)), ((), ())),
                           preferred_element_type=jnp.float32)
    acc += jnp.dot(g_ref[...], w_ref[2 * D_EDGE + D_NODE:, :],
                   preferred_element_type=jnp.float32)
    out_ref[...] = acc + b_ref[...]


def _matmul(rect, sent, node, g2, w, b2):
    d_in = 2 * D_EDGE + D_NODE + D_GLOBAL
    return pl.pallas_call(
        _mm_body,
        grid=(pl.cdiv(N_NODES, _BM),),
        in_specs=[
            pl.BlockSpec((D_EDGE, _BM), lambda i: (0, i)),
            pl.BlockSpec((D_EDGE, _BM), lambda i: (0, i)),
            pl.BlockSpec((_BM, D_NODE), lambda i: (i, 0)),
            pl.BlockSpec((1, D_GLOBAL), lambda i: (0, 0)),
            pl.BlockSpec((d_in, D_NODE), lambda i: (0, 0)),
            pl.BlockSpec((1, D_NODE), lambda i: (0, 0)),
        ],
        out_specs=pl.BlockSpec((_BM, D_NODE), lambda i: (i, 0)),
        out_shape=jax.ShapeDtypeStruct((N_NODES, D_NODE), jnp.float32),
    )(rect, sent, node, g2, w, b2)


def kernel(node_attributes, edge_attributes, global_attributes, edge_index, W, b):
    eiv = edge_index.reshape(2, _NRB, 128).transpose(1, 0, 2)
    eav = (edge_attributes.T.reshape(2, 8, _NRB, 128).transpose(0, 2, 1, 3))
    rect, sent = _seg(eiv, eav)
    return _matmul(rect, sent, node_attributes,
                   global_attributes.reshape(1, D_GLOBAL), W,
                   b.reshape(1, D_NODE))

# --- scband reference (transcript-rebuilt; emitter-appended) ---
"""Pipeline reference for scband-node-block-24807731101812 (READ-ONLY COPY).

The authoritative reference and input builder live on the scoring server;
editing this copy changes nothing except your own understanding.
"""

import jax, jax.numpy as jnp
import numpy as np

N_NODES = 100000
N_EDGES = 3200000
D_NODE = 128
D_EDGE = 16
D_GLOBAL = 32


def setup_inputs(seed: int = 0) -> dict:
    key = jax.random.key(seed)
    k1, k2, k3, k4, k5 = jax.random.split(key, 5)
    node_attributes = jax.random.normal(k1, (N_NODES, D_NODE), dtype=jnp.float32)
    edge_attributes = jax.random.normal(k2, (N_EDGES, D_EDGE), dtype=jnp.float32)
    global_attributes = jax.random.normal(k3, (D_GLOBAL,), dtype=jnp.float32)
    edge_index = jax.random.randint(k4, (2, N_EDGES), 0, N_NODES, dtype=jnp.int32)
    # learned params for the node_attribute_update_function (a linear layer over
    # concat([rec_edge_aggr, send_edge_aggr, node_attr, global_attr]))
    d_in = 2 * D_EDGE + D_NODE + D_GLOBAL
    W = jax.random.normal(k5, (d_in, D_NODE), dtype=jnp.float32) * (1.0 / np.sqrt(d_in))
    b = jnp.zeros((D_NODE,), dtype=jnp.float32)
    return {
        "node_attributes": node_attributes,
        "edge_attributes": edge_attributes,
        "global_attributes": global_attributes,
        "edge_index": edge_index,
        "W": W,
        "b": b,
    }


def reference(node_attributes, edge_attributes, global_attributes, edge_index, W, b):
    # NodeBlock.forward: per-node aggregate incoming edge attrs, outgoing edge
    # attrs, then call node_attribute_update_function with node + global attrs.
    src = edge_index[0]
    dst = edge_index[1]
    num_nodes = node_attributes.shape[0]
    # receiving_edge_aggregator: sum of edge attrs whose edge points INTO node
    rec_edge_attrs = jax.ops.segment_sum(edge_attributes, dst, num_segments=num_nodes)
    # sending_edge_aggregator: sum of edge attrs whose edge leaves node
    sen_edge_attrs = jax.ops.segment_sum(edge_attributes, src, num_segments=num_nodes)
    g = jnp.broadcast_to(global_attributes[None, :], (num_nodes, global_attributes.shape[0]))
    feats = jnp.concatenate([rec_edge_attrs, sen_edge_attrs, node_attributes, g], axis=1)
    new_node_attributes = feats @ W + b
    return new_node_attributes

if __name__ == "__main__":
    import jax
    _d = setup_inputs()
    print(jax.jit(kernel)(*tuple(_d.values())))

</pallas_src>

<mosaic_0001>
#map = affine_map<(d0, d1) -> (0, 0, 0)>
#map1 = affine_map<(d0, d1) -> (0, 0, 0, 0)>
#map2 = affine_map<(d0, d1) -> (0, 0)>
module attributes {stable_mosaic.version = 14 : i64} {
  func.func @_seg_body(%arg0: i32, %arg1: i32, %arg2: memref<25000x2x128xi32, #tpu.memory_space<hbm>>, %arg3: memref<2x25000x8x128xf32, #tpu.memory_space<hbm>>, %arg4: memref<16x100000xf32, #tpu.memory_space<hbm>>, %arg5: memref<16x100000xf32, #tpu.memory_space<hbm>>, %arg6: memref<25x128xi32, #tpu.memory_space<vmem>>, %arg7: memref<25x128xi32, #tpu.memory_space<vmem>>, %arg8: memref<25x128xi32, #tpu.memory_space<vmem>>, %arg9: memref<25x128xi32, #tpu.memory_space<vmem>>, %arg10: memref<25x128xf32, #tpu.memory_space<vmem>>, %arg11: memref<25x128xf32, #tpu.memory_space<vmem>>, %arg12: memref<25x128xf32, #tpu.memory_space<vmem>>, %arg13: memref<25x128xf32, #tpu.memory_space<vmem>>, %arg14: memref<100000xf32, #tpu.memory_space<vmem>>, %arg15: memref<!tpu.dma_semaphore, #tpu.memory_space<semaphore_mem>>, %arg16: memref<!tpu.dma_semaphore, #tpu.memory_space<semaphore_mem>>) attributes {dimension_semantics = [#tpu.dimension_semantics<core_parallel>, #tpu.dimension_semantics<subcore_parallel>], iteration_bounds = array<i64: 2, 16>, scalar_prefetch = 0 : i64, scratch_operands = 11 : i64, tpu.core_type = #tpu.core_type<sc_vector_subcore>, window_params = [{transform_indices = #map}, {transform_indices = #map1}, {transform_indices = #map2}, {transform_indices = #map2}]} {
    %jit3A = arith.constant 8 : i32
    %div3A = arith.divsi %arg1, %jit3A : i32
    %sign3A = arith.constant 0 : i32
    %sign3A_0 = arith.cmpi sgt, %arg1, %sign3A : i32
    %sign3A_1 = arith.extui %sign3A_0 : i1 to i32
    %sign3A_2 = arith.constant 0 : i32
    %sign3A_3 = arith.cmpi slt, %arg1, %sign3A_2 : i32
    %sign3A_4 = arith.extui %sign3A_3 : i1 to i32
    %sign3A_5 = arith.subi %sign3A_1, %sign3A_4 : i32
    %sign3A_6 = arith.constant 0 : i32
    %sign3A_7 = arith.cmpi sgt, %jit3A, %sign3A_6 : i32
    %sign3A_8 = arith.extui %sign3A_7 : i1 to i32
    %sign3A_9 = arith.constant 0 : i32
    %sign3A_10 = arith.cmpi slt, %jit3A, %sign3A_9 : i32
    %sign3A_11 = arith.extui %sign3A_10 : i1 to i32
    %sign3A_12 = arith.subi %sign3A_8, %sign3A_11 : i32
    %ne3A = arith.cmpi ne, %sign3A_5, %sign3A_12 : i32
    %rem3A = arith.remsi %arg1, %jit3A : i32
    %ne3A_13 = arith.constant 0 : i32
    %ne3A_14 = arith.cmpi ne, %rem3A, %ne3A_13 : i32
    %and3A = arith.andi %ne3A, %ne3A_14 : i1
    %sub3A = arith.constant 1 : i32
    %sub3A_15 = arith.subi %div3A, %sub3A : i32
    %select_n3A = arith.select %and3A, %sub3A_15, %div3A : i32
    %jit3A_16 = arith.constant 8 : i32
    %eq3A = arith.constant 0 : i32
    %eq3A_17 = arith.cmpi eq, %jit3A_16, %eq3A : i32
    %jit3A_18 = arith.constant 1 : i32
    %select_n3A_19 = arith.select %eq3A_17, %jit3A_18, %jit3A_16 : i32
    %rem3A_20 = arith.remsi %arg1, %select_n3A_19 : i32
    %ne3A_21 = arith.constant 0 : i32
    %ne3A_22 = arith.cmpi ne, %rem3A_20, %ne3A_21 : i32
    %lt3A = arith.constant 0 : i32
    %lt3A_23 = arith.cmpi slt, %rem3A_20, %lt3A : i32
    %lt3A_24 = arith.constant 0 : i32
    %lt3A_25 = arith.cmpi slt, %select_n3A_19, %lt3A_24 : i32
    %ne3A_26 = arith.xori %lt3A_23, %lt3A_25 : i1
    %and3A_27 = arith.andi %ne3A_26, %ne3A_22 : i1
    %add3A = arith.addi %rem3A_20, %select_n3A_19 : i32
    %select_n3A_28 = arith.select %and3A_27, %add3A, %rem3A_20 : i32
    %broadcast_in_dim3A = arith.constant 0.000000e+00 : f32
    %broadcast_in_dim3A_29 = vector.broadcast %broadcast_in_dim3A : f32 to vector<16xf32>
    %scan3A = arith.constant 0 : i32
    %scan3A_30 = arith.constant 6250 : i32
    %scan3A_31 = arith.addi %scan3A, %scan3A_30 : i32
    %scan3A_32 = arith.constant 1 : i32
    scf.for %scan3A_118 = %scan3A to %scan3A_31 step %scan3A_32  : i32 {
      %mul3A = arith.constant 1 : i32
      %mul3A_119 = arith.muli %scan3A_118, %mul3A : i32
      %add3A_120 = arith.constant 0 : i32
      %add3A_121 = arith.addi %add3A_120, %mul3A_119 : i32
      %mul3A_122 = arith.constant 16 : i32
      %mul3A_123 = arith.muli %add3A_121, %mul3A_122 : i32
      %swap3A = arith.index_cast %mul3A_123 : i32 to index
      %swap3A_124 = tpu.vector_load %arg14[%swap3A] {strides = array<i32>} : memref<100000xf32, #tpu.memory_space<vmem>>, vector<16xf32>,
      tpu.vector_store %arg14[%swap3A], %broadcast_in_dim3A_29 {strides = array<i32>} : memref<100000xf32, #tpu.memory_space<vmem>>, vector<16xf32>,
    }
    %scan3A_33 = arith.constant 6250 : i32
    %eq3A_34 = arith.constant 0 : i32
    %eq3A_35 = arith.cmpi eq, %arg0, %eq3A_34 : i32
    %convert_element_type3A = arith.extui %eq3A_35 : i1 to i32
    %cond3A = arith.constant 0 : i32
    %cond3A_36 = arith.cmpi ne, %convert_element_type3A, %cond3A : i32
    scf.if %cond3A_36 {
      %dma_start3A_118 = arith.constant 1 : i32
      %dma_start3A_119 = arith.constant 0 : i32
      %dma_start3A_120 = arith.constant 0 : i32
      %dma_start3A_121 = tpu.memref_slice %arg2[%dma_start3A_119, %dma_start3A_118, %dma_start3A_120] : memref<25000x2x128xi32, #tpu.memory_space<hbm>> -> memref<25x1x128xi32, #tpu.memory_space<hbm>>
      %dma_start3A_122 = tpu.memref_squeeze %dma_start3A_121 : memref<25x1x128xi32, #tpu.memory_space<hbm>> -> memref<25x128xi32, #tpu.memory_space<hbm>>
      %dma_start3A_123 = arith.constant 0 : i32
      %dma_start3A_124 = arith.constant 0 : i32
      %dma_start3A_125 = tpu.memref_slice %arg2[%dma_start3A_123, %dma_start3A_118, %dma_start3A_124] : memref<25000x2x128xi32, #tpu.memory_space<hbm>> -> memref<25x1x128xi32, #tpu.memory_space<hbm>>
      %dma_start3A_126 = tpu.memref_squeeze %dma_start3A_125 : memref<25x1x128xi32, #tpu.memory_space<hbm>> -> memref<25x128xi32, #tpu.memory_space<hbm>>
      tpu.enqueue_dma source(%dma_start3A_126 : memref<25x128xi32, #tpu.memory_space<hbm>>) target(%arg6 : memref<25x128xi32, #tpu.memory_space<vmem>>) target_semaphore(%arg15 : memref<!tpu.dma_semaphore, #tpu.memory_space<semaphore_mem>>)
    } else {
    }
    %eq3A_37 = arith.constant 1 : i32
    %eq3A_38 = arith.cmpi eq, %arg0, %eq3A_37 : i32
    %convert_element_type3A_39 = arith.extui %eq3A_38 : i1 to i32
    %cond3A_40 = arith.constant 0 : i32
    %cond3A_41 = arith.cmpi ne, %convert_element_type3A_39, %cond3A_40 : i32
    scf.if %cond3A_41 {
      %dma_start3A_118 = arith.constant 0 : i32
      %dma_start3A_119 = arith.constant 0 : i32
      %dma_start3A_120 = arith.constant 0 : i32
      %dma_start3A_121 = tpu.memref_slice %arg2[%dma_start3A_119, %dma_start3A_118, %dma_start3A_120] : memref<25000x2x128xi32, #tpu.memory_space<hbm>> -> memref<25x1x128xi32, #tpu.memory_space<hbm>>
      %dma_start3A_122 = tpu.memref_squeeze %dma_start3A_121 : memref<25x1x128xi32, #tpu.memory_space<hbm>> -> memref<25x128xi32, #tpu.memory_space<hbm>>
      %dma_start3A_123 = arith.constant 0 : i32
      %dma_start3A_124 = arith.constant 0 : i32
      %dma_start3A_125 = tpu.memref_slice %arg2[%dma_start3A_123, %dma_start3A_118, %dma_start3A_124] : memref<25000x2x128xi32, #tpu.memory_space<hbm>> -> memref<25x1x128xi32, #tpu.memory_space<hbm>>
      %dma_start3A_126 = tpu.memref_squeeze %dma_start3A_125 : memref<25x1x128xi32, #tpu.memory_space<hbm>> -> memref<25x128xi32, #tpu.memory_space<hbm>>
      tpu.enqueue_dma source(%dma_start3A_126 : memref<25x128xi32, #tpu.memory_space<hbm>>) target(%arg6 : memref<25x128xi32, #tpu.memory_space<vmem>>) target_semaphore(%arg15 : memref<!tpu.dma_semaphore, #tpu.memory_space<semaphore_mem>>)
    } else {
    }
    %dma_start3A = arith.constant 0 : i32
    %dma_start3A_42 = arith.constant 0 : i32
    %dma_start3A_43 = tpu.memref_slice %arg3[%select_n3A, %dma_start3A, %select_n3A_28, %dma_start3A_42] : memref<2x25000x8x128xf32, #tpu.memory_space<hbm>> -> memref<1x25x1x128xf32, #tpu.memory_space<hbm>>
    %dma_start3A_44 = tpu.memref_squeeze %dma_start3A_43 : memref<1x25x1x128xf32, #tpu.memory_space<hbm>> -> memref<25x128xf32, #tpu.memory_space<hbm>>
    %dma_start3A_45 = arith.constant 0 : i32
    %dma_start3A_46 = arith.constant 0 : i32
    %dma_start3A_47 = tpu.memref_slice %arg3[%select_n3A, %dma_start3A_45, %select_n3A_28, %dma_start3A_46] : memref<2x25000x8x128xf32, #tpu.memory_space<hbm>> -> memref<1x25x1x128xf32, #tpu.memory_space<hbm>>
    %dma_start3A_48 = tpu.memref_squeeze %dma_start3A_47 : memref<1x25x1x128xf32, #tpu.memory_space<hbm>> -> memref<25x128xf32, #tpu.memory_space<hbm>>
    tpu.enqueue_dma source(%dma_start3A_48 : memref<25x128xf32, #tpu.memory_space<hbm>>) target(%arg10 : memref<25x128xf32, #tpu.memory_space<vmem>>) target_semaphore(%arg16 : memref<!tpu.dma_semaphore, #tpu.memory_space<semaphore_mem>>)
    %eq3A_49 = arith.constant 0 : i32
    %eq3A_50 = arith.cmpi eq, %arg0, %eq3A_49 : i32
    %convert_element_type3A_51 = arith.extui %eq3A_50 : i1 to i32
    %cond3A_52 = arith.constant 0 : i32
    %cond3A_53 = arith.cmpi ne, %convert_element_type3A_51, %cond3A_52 : i32
    scf.if %cond3A_53 {
      %dma_start3A_118 = arith.constant 1 : i32
      %dma_start3A_119 = arith.constant 25 : i32
      %dma_start3A_120 = arith.constant 0 : i32
      %dma_start3A_121 = tpu.memref_slice %arg2[%dma_start3A_119, %dma_start3A_118, %dma_start3A_120] : memref<25000x2x128xi32, #tpu.memory_space<hbm>> -> memref<25x1x128xi32, #tpu.memory_space<hbm>>
      %dma_start3A_122 = tpu.memref_squeeze %dma_start3A_121 : memref<25x1x128xi32, #tpu.memory_space<hbm>> -> memref<25x128xi32, #tpu.memory_space<hbm>>
      %dma_start3A_123 = arith.constant 25 : i32
      %dma_start3A_124 = arith.constant 0 : i32
      %dma_start3A_125 = tpu.memref_slice %arg2[%dma_start3A_123, %dma_start3A_118, %dma_start3A_124] : memref<25000x2x128xi32, #tpu.memory_space<hbm>> -> memref<25x1x128xi32, #tpu.memory_space<hbm>>
      %dma_start3A_126 = tpu.memref_squeeze %dma_start3A_125 : memref<25x1x128xi32, #tpu.memory_space<hbm>> -> memref<25x128xi32, #tpu.memory_space<hbm>>
      tpu.enqueue_dma source(%dma_start3A_126 : memref<25x128xi32, #tpu.memory_space<hbm>>) target(%arg7 : memref<25x128xi32, #tpu.memory_space<vmem>>) target_semaphore(%arg15 : memref<!tpu.dma_semaphore, #tpu.memory_space<semaphore_mem>>)
    } else {
    }
    %eq3A_54 = arith.constant 1 : i32
    %eq3A_55 = arith.cmpi eq, %arg0, %eq3A_54 : i32
    %convert_element_type3A_56 = arith.extui %eq3A_55 : i1 to i32
    %cond3A_57 = arith.constant 0 : i32
    %cond3A_58 = arith.cmpi ne, %convert_element_type3A_56, %cond3A_57 : i32
    scf.if %cond3A_58 {
      %dma_start3A_118 = arith.constant 0 : i32
      %dma_start3A_119 = arith.constant 25 : i32
      %dma_start3A_120 = arith.constant 0 : i32
      %dma_start3A_121 = tpu.memref_slice %arg2[%dma_start3A_119, %dma_start3A_118, %dma_start3A_120] : memref<25000x2x128xi32, #tpu.memory_space<hbm>> -> memref<25x1x128xi32, #tpu.memory_space<hbm>>
      %dma_start3A_122 = tpu.memref_squeeze %dma_start3A_121 : memref<25x1x128xi32, #tpu.memory_space<hbm>> -> memref<25x128xi32, #tpu.memory_space<hbm>>
      %dma_start3A_123 = arith.constant 25 : i32
      %dma_start3A_124 = arith.constant 0 : i32
      %dma_start3A_125 = tpu.memref_slice %arg2[%dma_start3A_123, %dma_start3A_118, %dma_start3A_124] : memref<25000x2x128xi32, #tpu.memory_space<hbm>> -> memref<25x1x128xi32, #tpu.memory_space<hbm>>
      %dma_start3A_126 = tpu.memref_squeeze %dma_start3A_125 : memref<25x1x128xi32, #tpu.memory_space<hbm>> -> memref<25x128xi32, #tpu.memory_space<hbm>>
      tpu.enqueue_dma source(%dma_start3A_126 : memref<25x128xi32, #tpu.memory_space<hbm>>) target(%arg7 : memref<25x128xi32, #tpu.memory_space<vmem>>) target_semaphore(%arg15 : memref<!tpu.dma_semaphore, #tpu.memory_space<semaphore_mem>>)
    } else {
    }
    %dma_start3A_59 = arith.constant 25 : i32
    %dma_start3A_60 = arith.constant 0 : i32
    %dma_start3A_61 = tpu.memref_slice %arg3[%select_n3A, %dma_start3A_59, %select_n3A_28, %dma_start3A_60] : memref<2x25000x8x128xf32, #tpu.memory_space<hbm>> -> memref<1x25x1x128xf32, #tpu.memory_space<hbm>>
    %dma_start3A_62 = tpu.memref_squeeze %dma_start3A_61 : memref<1x25x1x128xf32, #tpu.memory_space<hbm>> -> memref<25x128xf32, #tpu.memory_space<hbm>>
    %dma_start3A_63 = arith.constant 25 : i32
    %dma_start3A_64 = arith.constant 0 : i32
    %dma_start3A_65 = tpu.memref_slice %arg3[%select_n3A, %dma_start3A_63, %select_n3A_28, %dma_start3A_64] : memref<2x25000x8x128xf32, #tpu.memory_space<hbm>> -> memref<1x25x1x128xf32, #tpu.memory_space<hbm>>
    %dma_start3A_66 = tpu.memref_squeeze %dma_start3A_65 : memref<1x25x1x128xf32, #tpu.memory_space<hbm>> -> memref<25x128xf32, #tpu.memory_space<hbm>>
    tpu.enqueue_dma source(%dma_start3A_66 : memref<25x128xf32, #tpu.memory_space<hbm>>) target(%arg11 : memref<25x128xf32, #tpu.memory_space<vmem>>) target_semaphore(%arg16 : memref<!tpu.dma_semaphore, #tpu.memory_space<semaphore_mem>>)
    %eq3A_67 = arith.constant 0 : i32
    %eq3A_68 = arith.cmpi eq, %arg0, %eq3A_67 : i32
    %convert_element_type3A_69 = arith.extui %eq3A_68 : i1 to i32
    %cond3A_70 = arith.constant 0 : i32
    %cond3A_71 = arith.cmpi ne, %convert_element_type3A_69, %cond3A_70 : i32
    scf.if %cond3A_71 {
      %dma_start3A_118 = arith.constant 1 : i32
      %dma_start3A_119 = arith.constant 50 : i32
      %dma_start3A_120 = arith.constant 0 : i32
      %dma_start3A_121 = tpu.memref_slice %arg2[%dma_start3A_119, %dma_start3A_118, %dma_start3A_120] : memref<25000x2x128xi32, #tpu.memory_space<hbm>> -> memref<25x1x128xi32, #tpu.memory_space<hbm>>
      %dma_start3A_122 = tpu.memref_squeeze %dma_start3A_121 : memref<25x1x128xi32, #tpu.memory_space<hbm>> -> memref<25x128xi32, #tpu.memory_space<hbm>>
      %dma_start3A_123 = arith.constant 50 : i32
      %dma_start3A_124 = arith.constant 0 : i32
      %dma_start3A_125 = tpu.memref_slice %arg2[%dma_start3A_123, %dma_start3A_118, %dma_start3A_124] : memref<25000x2x128xi32, #tpu.memory_space<hbm>> -> memref<25x1x128xi32, #tpu.memory_space<hbm>>
      %dma_start3A_126 = tpu.memref_squeeze %dma_start3A_125 : memref<25x1x128xi32, #tpu.memory_space<hbm>> -> memref<25x128xi32, #tpu.memory_space<hbm>>
      tpu.enqueue_dma source(%dma_start3A_126 : memref<25x128xi32, #tpu.memory_space<hbm>>) target(%arg8 : memref<25x128xi32, #tpu.memory_space<vmem>>) target_semaphore(%arg15 : memref<!tpu.dma_semaphore, #tpu.memory_space<semaphore_mem>>)
    } else {
    }
    %eq3A_72 = arith.constant 1 : i32
    %eq3A_73 = arith.cmpi eq, %arg0, %eq3A_72 : i32
    %convert_element_type3A_74 = arith.extui %eq3A_73 : i1 to i32
    %cond3A_75 = arith.constant 0 : i32
    %cond3A_76 = arith.cmpi ne, %convert_element_type3A_74, %cond3A_75 : i32
    scf.if %cond3A_76 {
      %dma_start3A_118 = arith.constant 0 : i32
      %dma_start3A_119 = arith.constant 50 : i32
      %dma_start3A_120 = arith.constant 0 : i32
      %dma_start3A_121 = tpu.memref_slice %arg2[%dma_start3A_119, %dma_start3A_118, %dma_start3A_120] : memref<25000x2x128xi32, #tpu.memory_space<hbm>> -> memref<25x1x128xi32, #tpu.memory_space<hbm>>
      %dma_start3A_122 = tpu.memref_squeeze %dma_start3A_121 : memref<25x1x128xi32, #tpu.memory_space<hbm>> -> memref<25x128xi32, #tpu.memory_space<hbm>>
      %dma_start3A_123 = arith.constant 50 : i32
      %dma_start3A_124 = arith.constant 0 : i32
      %dma_start3A_125 = tpu.memref_slice %arg2[%dma_start3A_123, %dma_start3A_118, %dma_start3A_124] : memref<25000x2x128xi32, #tpu.memory_space<hbm>> -> memref<25x1x128xi32, #tpu.memory_space<hbm>>
      %dma_start3A_126 = tpu.memref_squeeze %dma_start3A_125 : memref<25x1x128xi32, #tpu.memory_space<hbm>> -> memref<25x128xi32, #tpu.memory_space<hbm>>
      tpu.enqueue_dma source(%dma_start3A_126 : memref<25x128xi32, #tpu.memory_space<hbm>>) target(%arg8 : memref<25x128xi32, #tpu.memory_space<vmem>>) target_semaphore(%arg15 : memref<!tpu.dma_semaphore, #tpu.memory_space<semaphore_mem>>)
    } else {
    }
    %dma_start3A_77 = arith.constant 50 : i32
    %dma_start3A_78 = arith.constant 0 : i32
    %dma_start3A_79 = tpu.memref_slice %arg3[%select_n3A, %dma_start3A_77, %select_n3A_28, %dma_start3A_78] : memref<2x25000x8x128xf32, #tpu.memory_space<hbm>> -> memref<1x25x1x128xf32, #tpu.memory_space<hbm>>
    %dma_start3A_80 = tpu.memref_squeeze %dma_start3A_79 : memref<1x25x1x128xf32, #tpu.memory_space<hbm>> -> memref<25x128xf32, #tpu.memory_space<hbm>>
    %dma_start3A_81 = arith.constant 50 : i32
    %dma_start3A_82 = arith.constant 0 : i32
    %dma_start3A_83 = tpu.memref_slice %arg3[%select_n3A, %dma_start3A_81, %select_n3A_28, %dma_start3A_82] : memref<2x25000x8x128xf32, #tpu.memory_space<hbm>> -> memref<1x25x1x128xf32, #tpu.memory_space<hbm>>
    %dma_start3A_84 = tpu.memref_squeeze %dma_start3A_83 : memref<1x25x1x128xf32, #tpu.memory_space<hbm>> -> memref<25x128xf32, #tpu.memory_space<hbm>>
    tpu.enqueue_dma source(%dma_start3A_84 : memref<25x128xf32, #tpu.memory_space<hbm>>) target(%arg12 : memref<25x128xf32, #tpu.memory_space<vmem>>) target_semaphore(%arg16 : memref<!tpu.dma_semaphore, #tpu.memory_space<semaphore_mem>>)
    %eq3A_85 = arith.constant 0 : i32
    %eq3A_86 = arith.cmpi eq, %arg0, %eq3A_85 : i32
    %convert_element_type3A_87 = arith.extui %eq3A_86 : i1 to i32
    %cond3A_88 = arith.constant 0 : i32
    %cond3A_89 = arith.cmpi ne, %convert_element_type3A_87, %cond3A_88 : i32
    scf.if %cond3A_89 {
      %dma_start3A_118 = arith.constant 1 : i32
      %dma_start3A_119 = arith.constant 75 : i32
      %dma_start3A_120 = arith.constant 0 : i32
      %dma_start3A_121 = tpu.memref_slice %arg2[%dma_start3A_119, %dma_start3A_118, %dma_start3A_120] : memref<25000x2x128xi32, #tpu.memory_space<hbm>> -> memref<25x1x128xi32, #tpu.memory_space<hbm>>
      %dma_start3A_122 = tpu.memref_squeeze %dma_start3A_121 : memref<25x1x128xi32, #tpu.memory_space<hbm>> -> memref<25x128xi32, #tpu.memory_space<hbm>>
      %dma_start3A_123 = arith.constant 75 : i32
      %dma_start3A_124 = arith.constant 0 : i32
      %dma_start3A_125 = tpu.memref_slice %arg2[%dma_start3A_123, %dma_start3A_118, %dma_start3A_124] : memref<25000x2x128xi32, #tpu.memory_space<hbm>> -> memref<25x1x128xi32, #tpu.memory_space<hbm>>
      %dma_start3A_126 = tpu.memref_squeeze %dma_start3A_125 : memref<25x1x128xi32, #tpu.memory_space<hbm>> -> memref<25x128xi32, #tpu.memory_space<hbm>>
      tpu.enqueue_dma source(%dma_start3A_126 : memref<25x128xi32, #tpu.memory_space<hbm>>) target(%arg9 : memref<25x128xi32, #tpu.memory_space<vmem>>) target_semaphore(%arg15 : memref<!tpu.dma_semaphore, #tpu.memory_space<semaphore_mem>>)
    } else {
    }
    %eq3A_90 = arith.constant 1 : i32
    %eq3A_91 = arith.cmpi eq, %arg0, %eq3A_90 : i32
    %convert_element_type3A_92 = arith.extui %eq3A_91 : i1 to i32
    %cond3A_93 = arith.constant 0 : i32
    %cond3A_94 = arith.cmpi ne, %convert_element_type3A_92, %cond3A_93 : i32
    scf.if %cond3A_94 {
      %dma_start3A_118 = arith.constant 0 : i32
      %dma_start3A_119 = arith.constant 75 : i32
      %dma_start3A_120 = arith.constant 0 : i32
      %dma_start3A_121 = tpu.memref_slice %arg2[%dma_start3A_119, %dma_start3A_118, %dma_start3A_120] : memref<25000x2x128xi32, #tpu.memory_space<hbm>> -> memref<25x1x128xi32, #tpu.memory_space<hbm>>
      %dma_start3A_122 = tpu.memref_squeeze %dma_start3A_121 : memref<25x1x128xi32, #tpu.memory_space<hbm>> -> memref<25x128xi32, #tpu.memory_space<hbm>>
      %dma_start3A_123 = arith.constant 75 : i32
      %dma_start3A_124 = arith.constant 0 : i32
      %dma_start3A_125 = tpu.memref_slice %arg2[%dma_start3A_123, %dma_start3A_118, %dma_start3A_124] : memref<25000x2x128xi32, #tpu.memory_space<hbm>> -> memref<25x1x128xi32, #tpu.memory_space<hbm>>
      %dma_start3A_126 = tpu.memref_squeeze %dma_start3A_125 : memref<25x1x128xi32, #tpu.memory_space<hbm>> -> memref<25x128xi32, #tpu.memory_space<hbm>>
      tpu.enqueue_dma source(%dma_start3A_126 : memref<25x128xi32, #tpu.memory_space<hbm>>) target(%arg9 : memref<25x128xi32, #tpu.memory_space<vmem>>) target_semaphore(%arg15 : memref<!tpu.dma_semaphore, #tpu.memory_space<semaphore_mem>>)
    } else {
    }
    %dma_start3A_95 = arith.constant 75 : i32
    %dma_start3A_96 = arith.constant 0 : i32
    %dma_start3A_97 = tpu.memref_slice %arg3[%select_n3A, %dma_start3A_95, %select_n3A_28, %dma_start3A_96] : memref<2x25000x8x128xf32, #tpu.memory_space<hbm>> -> memref<1x25x1x128xf32, #tpu.memory_space<hbm>>
    %dma_start3A_98 = tpu.memref_squeeze %dma_start3A_97 : memref<1x25x1x128xf32, #tpu.memory_space<hbm>> -> memref<25x128xf32, #tpu.memory_space<hbm>>
    %dma_start3A_99 = arith.constant 75 : i32
    %dma_start3A_100 = arith.constant 0 : i32
    %dma_start3A_101 = tpu.memref_slice %arg3[%select_n3A, %dma_start3A_99, %select_n3A_28, %dma_start3A_100] : memref<2x25000x8x128xf32, #tpu.memory_space<hbm>> -> memref<1x25x1x128xf32, #tpu.memory_space<hbm>>
    %dma_start3A_102 = tpu.memref_squeeze %dma_start3A_101 : memref<1x25x1x128xf32, #tpu.memory_space<hbm>> -> memref<25x128xf32, #tpu.memory_space<hbm>>
    tpu.enqueue_dma source(%dma_start3A_102 : memref<25x128xf32, #tpu.memory_space<hbm>>) target(%arg13 : memref<25x128xf32, #tpu.memory_space<vmem>>) target_semaphore(%arg16 : memref<!tpu.dma_semaphore, #tpu.memory_space<semaphore_mem>>)
    %scan3A_103 = arith.constant 0 : i32
    %scan3A_104 = arith.constant 250 : i32
    %scan3A_105 = arith.addi %scan3A_103, %scan3A_104 : i32
    %scan3A_106 = arith.constant 1 : i32
    scf.for %scan3A_118 = %scan3A_103 to %scan3A_105 step %scan3A_106  : i32 {
      %mul3A = arith.constant 4 : i32
      %mul3A_119 = arith.muli %scan3A_118, %mul3A : i32
      %add3A_120 = arith.constant 0 : i32
      %add3A_121 = arith.addi %add3A_120, %mul3A_119 : i32
      %dma_wait3A = arith.constant 0 : i32
      %dma_wait3A_122 = arith.constant 0 : i32
      %dma_wait3A_123 = arith.constant 0 : i32
      %dma_wait3A_124 = tpu.memref_slice %arg2[%dma_wait3A_122, %dma_wait3A, %dma_wait3A_123] : memref<25000x2x128xi32, #tpu.memory_space<hbm>> -> memref<25x1x128xi32, #tpu.memory_space<hbm>>
      %dma_wait3A_125 = tpu.memref_squeeze %dma_wait3A_124 : memref<25x1x128xi32, #tpu.memory_space<hbm>> -> memref<25x128xi32, #tpu.memory_space<hbm>>
      %dma_wait3A_126 = arith.constant 0 : i32
      %dma_wait3A_127 = arith.constant 0 : i32
      %dma_wait3A_128 = tpu.memref_slice %arg2[%dma_wait3A_126, %dma_wait3A, %dma_wait3A_127] : memref<25000x2x128xi32, #tpu.memory_space<hbm>> -> memref<25x1x128xi32, #tpu.memory_space<hbm>>
      %dma_wait3A_129 = tpu.memref_squeeze %dma_wait3A_128 : memref<25x1x128xi32, #tpu.memory_space<hbm>> -> memref<25x128xi32, #tpu.memory_space<hbm>>
      tpu.wait_dma2 semaphore(%arg15 : memref<!tpu.dma_semaphore, #tpu.memory_space<semaphore_mem>>) src(%dma_wait3A_129 : memref<25x128xi32, #tpu.memory_space<hbm>>) dst(%arg6 : memref<25x128xi32, #tpu.memory_space<vmem>>)
      %dma_wait3A_130 = arith.constant 0 : i32
      %dma_wait3A_131 = arith.constant 0 : i32
      %dma_wait3A_132 = arith.constant 0 : i32
      %dma_wait3A_133 = arith.constant 0 : i32
      %dma_wait3A_134 = tpu.memref_slice %arg3[%dma_wait3A_130, %dma_wait3A_132, %dma_wait3A_131, %dma_wait3A_133] : memref<2x25000x8x128xf32, #tpu.memory_space<hbm>> -> memref<1x25x1x128xf32, #tpu.memory_space<hbm>>
      %dma_wait3A_135 = tpu.memref_squeeze %dma_wait3A_134 : memref<1x25x1x128xf32, #tpu.memory_space<hbm>> -> memref<25x128xf32, #tpu.memory_space<hbm>>
      %dma_wait3A_136 = arith.constant 0 : i32
      %dma_wait3A_137 = arith.constant 0 : i32
      %dma_wait3A_138 = tpu.memref_slice %arg3[%dma_wait3A_130, %dma_wait3A_136, %dma_wait3A_131, %dma_wait3A_137] : memref<2x25000x8x128xf32, #tpu.memory_space<hbm>> -> memref<1x25x1x128xf32, #tpu.memory_space<hbm>>
      %dma_wait3A_139 = tpu.memref_squeeze %dma_wait3A_138 : memref<1x25x1x128xf32, #tpu.memory_space<hbm>> -> memref<25x128xf32, #tpu.memory_space<hbm>>
      tpu.wait_dma2 semaphore(%arg16 : memref<!tpu.dma_semaphore, #tpu.memory_space<semaphore_mem>>) src(%dma_wait3A_139 : memref<25x128xf32, #tpu.memory_space<hbm>>) dst(%arg10 : memref<25x128xf32, #tpu.memory_space<vmem>>)
      %parallel_loop3A = arith.constant 0 : i32
      %parallel_loop3A_140 = arith.constant 25 : i32
      %parallel_loop3A_141 = arith.constant 1 : i32
      scf.for %parallel_loop3A_244 = %parallel_loop3A to %parallel_loop3A_140 step %parallel_loop3A_141  : i32 {
        %parallel_loop3A_245 = arith.index_cast %parallel_loop3A_244 : i32 to index
        %parallel_loop3A_246 = arith.constant 0 : index
        %parallel_loop3A_247 = tpu.vector_load %arg6[%parallel_loop3A_245, %parallel_loop3A_246] {strides = array<i32>} : memref<25x128xi32, #tpu.memory_space<vmem>>, vector<16xi32>,
        %parallel_loop3A_248 = arith.index_cast %parallel_loop3A_244 : i32 to index
        %parallel_loop3A_249 = arith.constant 0 : index
        %parallel_loop3A_250 = tpu.vector_load %arg10[%parallel_loop3A_248, %parallel_loop3A_249] {strides = array<i32>} : memref<25x128xf32, #tpu.memory_space<vmem>>, vector<16xf32>,
        tpu.vector_store_idx %arg14[%parallel_loop3A_247], %parallel_loop3A_250 {add = true} : memref<100000xf32, #tpu.memory_space<vmem>>[vector<16xi32>], vector<16xf32>,
        %parallel_loop3A_251 = arith.index_cast %parallel_loop3A_244 : i32 to index
        %parallel_loop3A_252 = arith.constant 16 : index
        %parallel_loop3A_253 = tpu.vector_load %arg6[%parallel_loop3A_251, %parallel_loop3A_252] {strides = array<i32>} : memref<25x128xi32, #tpu.memory_space<vmem>>, vector<16xi32>,
        %parallel_loop3A_254 = arith.index_cast %parallel_loop3A_244 : i32 to index
        %parallel_loop3A_255 = arith.constant 16 : index
        %parallel_loop3A_256 = tpu.vector_load %arg10[%parallel_loop3A_254, %parallel_loop3A_255] {strides = array<i32>} : memref<25x128xf32, #tpu.memory_space<vmem>>, vector<16xf32>,
        tpu.vector_store_idx %arg14[%parallel_loop3A_253], %parallel_loop3A_256 {add = true} : memref<100000xf32, #tpu.memory_space<vmem>>[vector<16xi32>], vector<16xf32>,
        %parallel_loop3A_257 = arith.index_cast %parallel_loop3A_244 : i32 to index
        %parallel_loop3A_258 = arith.constant 32 : index
        %parallel_loop3A_259 = tpu.vector_load %arg6[%parallel_loop3A_257, %parallel_loop3A_258] {strides = array<i32>} : memref<25x128xi32, #tpu.memory_space<vmem>>, vector<16xi32>,
        %parallel_loop3A_260 = arith.index_cast %parallel_loop3A_244 : i32 to index
        %parallel_loop3A_261 = arith.constant 32 : index
        %parallel_loop3A_262 = tpu.vector_load %arg10[%parallel_loop3A_260, %parallel_loop3A_261] {strides = array<i32>} : memref<25x128xf32, #tpu.memory_space<vmem>>, vector<16xf32>,
        tpu.vector_store_idx %arg14[%parallel_loop3A_259], %parallel_loop3A_262 {add = true} : memref<100000xf32, #tpu.memory_space<vmem>>[vector<16xi32>], vector<16xf32>,
        %parallel_loop3A_263 = arith.index_cast %parallel_loop3A_244 : i32 to index
        %parallel_loop3A_264 = arith.constant 48 : index
        %parallel_loop3A_265 = tpu.vector_load %arg6[%parallel_loop3A_263, %parallel_loop3A_264] {strides = array<i32>} : memref<25x128xi32, #tpu.memory_space<vmem>>, vector<16xi32>,
        %parallel_loop3A_266 = arith.index_cast %parallel_loop3A_244 : i32 to index
        %parallel_loop3A_267 = arith.constant 48 : index
        %parallel_loop3A_268 = tpu.vector_load %arg10[%parallel_loop3A_266, %parallel_loop3A_267] {strides = array<i32>} : memref<25x128xf32, #tpu.memory_space<vmem>>, vector<16xf32>,
        tpu.vector_store_idx %arg14[%parallel_loop3A_265], %parallel_loop3A_268 {add = true} : memref<100000xf32, #tpu.memory_space<vmem>>[vector<16xi32>], vector<16xf32>,
        %parallel_loop3A_269 = arith.index_cast %parallel_loop3A_244 : i32 to index
        %parallel_loop3A_270 = arith.constant 64 : index
        %parallel_loop3A_271 = tpu.vector_load %arg6[%parallel_loop3A_269, %parallel_loop3A_270] {strides = array<i32>} : memref<25x128xi32, #tpu.memory_space<vmem>>, vector<16xi32>,
        %parallel_loop3A_272 = arith.index_cast %parallel_loop3A_244 : i32 to index
        %parallel_loop3A_273 = arith.constant 64 : index
        %parallel_loop3A_274 = tpu.vector_load %arg10[%parallel_loop3A_272, %parallel_loop3A_273] {strides = array<i32>} : memref<25x128xf32, #tpu.memory_space<vmem>>, vector<16xf32>,
        tpu.vector_store_idx %arg14[%parallel_loop3A_271], %parallel_loop3A_274 {add = true} : memref<100000xf32, #tpu.memory_space<vmem>>[vector<16xi32>], vector<16xf32>,
        %parallel_loop3A_275 = arith.index_cast %parallel_loop3A_244 : i32 to index
        %parallel_loop3A_276 = arith.constant 80 : index
        %parallel_loop3A_277 = tpu.vector_load %arg6[%parallel_loop3A_275, %parallel_loop3A_276] {strides = array<i32>} : memref<25x128xi32, #tpu.memory_space<vmem>>, vector<16xi32>,
        %parallel_loop3A_278 = arith.index_cast %parallel_loop3A_244 : i32 to index
        %parallel_loop3A_279 = arith.constant 80 : index
        %parallel_loop3A_280 = tpu.vector_load %arg10[%parallel_loop3A_278, %parallel_loop3A_279] {strides = array<i32>} : memref<25x128xf32, #tpu.memory_space<vmem>>, vector<16xf32>,
        tpu.vector_store_idx %arg14[%parallel_loop3A_277], %parallel_loop3A_280 {add = true} : memref<100000xf32, #tpu.memory_space<vmem>>[vector<16xi32>], vector<16xf32>,
        %parallel_loop3A_281 = arith.index_cast %parallel_loop3A_244 : i32 to index
        %parallel_loop3A_282 = arith.constant 96 : index
        %parallel_loop3A_283 = tpu.vector_load %arg6[%parallel_loop3A_281, %parallel_loop3A_282] {strides = array<i32>} : memref<25x128xi32, #tpu.memory_space<vmem>>, vector<16xi32>,
        %parallel_loop3A_284 = arith.index_cast %parallel_loop3A_244 : i32 to index
        %parallel_loop3A_285 = arith.constant 96 : index
        %parallel_loop3A_286 = tpu.vector_load %arg10[%parallel_loop3A_284, %parallel_loop3A_285] {strides = array<i32>} : memref<25x128xf32, #tpu.memory_space<vmem>>, vector<16xf32>,
        tpu.vector_store_idx %arg14[%parallel_loop3A_283], %parallel_loop3A_286 {add = true} : memref<100000xf32, #tpu.memory_space<vmem>>[vector<16xi32>], vector<16xf32>,
        %parallel_loop3A_287 = arith.index_cast %parallel_loop3A_244 : i32 to index
        %parallel_loop3A_288 = arith.constant 112 : index
        %parallel_loop3A_289 = tpu.vector_load %arg6[%parallel_loop3A_287, %parallel_loop3A_288] {strides = array<i32>} : memref<25x128xi32, #tpu.memory_space<vmem>>, vector<16xi32>,
        %parallel_loop3A_290 = arith.index_cast %parallel_loop3A_244 : i32 to index
        %parallel_loop3A_291 = arith.constant 112 : index
        %parallel_loop3A_292 = tpu.vector_load %arg10[%parallel_loop3A_290, %parallel_loop3A_291] {strides = array<i32>} : memref<25x128xf32, #tpu.memory_space<vmem>>, vector<16xf32>,
        tpu.vector_store_idx %arg14[%parallel_loop3A_289], %parallel_loop3A_292 {add = true} : memref<100000xf32, #tpu.memory_space<vmem>>[vector<16xi32>], vector<16xf32>,
      } {sc.loop_unroll_factor = 2 : i64, sc.parallel_access}
      %add3A_142 = arith.constant 0 : i32
      %add3A_143 = arith.addi %add3A_121, %add3A_142 : i32
      %add3A_144 = arith.constant 4 : i32
      %add3A_145 = arith.addi %add3A_143, %add3A_144 : i32
      %lt3A_146 = arith.constant 1000 : i32
      %lt3A_147 = arith.cmpi slt, %add3A_145, %lt3A_146 : i32
      %convert_element_type3A_148 = arith.extui %lt3A_147 : i1 to i32
      %cond3A_149 = arith.constant 0 : i32
      %cond3A_150 = arith.cmpi ne, %convert_element_type3A_148, %cond3A_149 : i32
      scf.if %cond3A_150 {
        %add3A_244 = arith.constant 0 : i32
        %add3A_245 = arith.addi %add3A_121, %add3A_244 : i32
        %add3A_246 = arith.constant 4 : i32
        %add3A_247 = arith.addi %add3A_245, %add3A_246 : i32
        %eq3A_248 = arith.constant 0 : i32
        %eq3A_249 = arith.cmpi eq, %arg0, %eq3A_248 : i32
        %convert_element_type3A_250 = arith.extui %eq3A_249 : i1 to i32
        %cond3A_251 = arith.constant 0 : i32
        %cond3A_252 = arith.cmpi ne, %convert_element_type3A_250, %cond3A_251 : i32
        scf.if %cond3A_252 {
          %mul3A_266 = arith.constant 25 : i32
          %mul3A_267 = arith.muli %add3A_247, %mul3A_266 : i32
          %dma_start3A_268 = arith.constant 1 : i32
          %dma_start3A_269 = arith.constant 0 : i32
          %dma_start3A_270 = tpu.memref_slice %arg2[%mul3A_267, %dma_start3A_268, %dma_start3A_269] : memref<25000x2x128xi32, #tpu.memory_space<hbm>> -> memref<25x1x128xi32, #tpu.memory_space<hbm>>
          %dma_start3A_271 = tpu.memref_squeeze %dma_start3A_270 : memref<25x1x128xi32, #tpu.memory_space<hbm>> -> memref<25x128xi32, #tpu.memory_space<hbm>>
          %dma_start3A_272 = arith.constant 0 : i32
          %dma_start3A_273 = tpu.memref_slice %arg2[%mul3A_267, %dma_start3A_268, %dma_start3A_272] : memref<25000x2x128xi32, #tpu.memory_space<hbm>> -> memref<25x1x128xi32, #tpu.memory_space<hbm>>
          %dma_start3A_274 = tpu.memref_squeeze %dma_start3A_273 : memref<25x1x128xi32, #tpu.memory_space<hbm>> -> memref<25x128xi32, #tpu.memory_space<hbm>>
          tpu.enqueue_dma source(%dma_start3A_274 : memref<25x128xi32, #tpu.memory_space<hbm>>) target(%arg6 : memref<25x128xi32, #tpu.memory_space<vmem>>) target_semaphore(%arg15 : memref<!tpu.dma_semaphore, #tpu.memory_space<semaphore_mem>>)
        } else {
        }
        %eq3A_253 = arith.constant 1 : i32
        %eq3A_254 = arith.cmpi eq, %arg0, %eq3A_253 : i32
        %convert_element_type3A_255 = arith.extui %eq3A_254 : i1 to i32
        %cond3A_256 = arith.constant 0 : i32
        %cond3A_257 = arith.cmpi ne, %convert_element_type3A_255, %cond3A_256 : i32
        scf.if %cond3A_257 {
          %mul3A_266 = arith.constant 25 : i32
          %mul3A_267 = arith.muli %add3A_247, %mul3A_266 : i32
          %dma_start3A_268 = arith.constant 0 : i32
          %dma_start3A_269 = arith.constant 0 : i32
          %dma_start3A_270 = tpu.memref_slice %arg2[%mul3A_267, %dma_start3A_268, %dma_start3A_269] : memref<25000x2x128xi32, #tpu.memory_space<hbm>> -> memref<25x1x128xi32, #tpu.memory_space<hbm>>
          %dma_start3A_271 = tpu.memref_squeeze %dma_start3A_270 : memref<25x1x128xi32, #tpu.memory_space<hbm>> -> memref<25x128xi32, #tpu.memory_space<hbm>>
          %dma_start3A_272 = arith.constant 0 : i32
          %dma_start3A_273 = tpu.memref_slice %arg2[%mul3A_267, %dma_start3A_268, %dma_start3A_272] : memref<25000x2x128xi32, #tpu.memory_space<hbm>> -> memref<25x1x128xi32, #tpu.memory_space<hbm>>
          %dma_start3A_274 = tpu.memref_squeeze %dma_start3A_273 : memref<25x1x128xi32, #tpu.memory_space<hbm>> -> memref<25x128xi32, #tpu.memory_space<hbm>>
          tpu.enqueue_dma source(%dma_start3A_274 : memref<25x128xi32, #tpu.memory_space<hbm>>) target(%arg6 : memref<25x128xi32, #tpu.memory_space<vmem>>) target_semaphore(%arg15 : memref<!tpu.dma_semaphore, #tpu.memory_space<semaphore_mem>>)
        } else {
        }
        %mul3A_258 = arith.constant 25 : i32
        %mul3A_259 = arith.muli %add3A_247, %mul3A_258 : i32
        %dma_start3A_260 = arith.constant 0 : i32
        %dma_start3A_261 = tpu.memref_slice %arg3[%select_n3A, %mul3A_259, %select_n3A_28, %dma_start3A_260] : memref<2x25000x8x128xf32, #tpu.memory_space<hbm>> -> memref<1x25x1x128xf32, #tpu.memory_space<hbm>>
        %dma_start3A_262 = tpu.memref_squeeze %dma_start3A_261 : memref<1x25x1x128xf32, #tpu.memory_space<hbm>> -> memref<25x128xf32, #tpu.memory_space<hbm>>
        %dma_start3A_263 = arith.constant 0 : i32
        %dma_start3A_264 = tpu.memref_slice %arg3[%select_n3A, %mul3A_259, %select_n3A_28, %dma_start3A_263] : memref<2x25000x8x128xf32, #tpu.memory_space<hbm>> -> memref<1x25x1x128xf32, #tpu.memory_space<hbm>>
        %dma_start3A_265 = tpu.memref_squeeze %dma_start3A_264 : memref<1x25x1x128xf32, #tpu.memory_space<hbm>> -> memref<25x128xf32, #tpu.memory_space<hbm>>
        tpu.enqueue_dma source(%dma_start3A_265 : memref<25x128xf32, #tpu.memory_space<hbm>>) target(%arg10 : memref<25x128xf32, #tpu.memory_space<vmem>>) target_semaphore(%arg16 : memref<!tpu.dma_semaphore, #tpu.memory_space<semaphore_mem>>)
      } else {
      }
      %dma_wait3A_151 = arith.constant 0 : i32
      %dma_wait3A_152 = arith.constant 0 : i32
      %dma_wait3A_153 = arith.constant 0 : i32
      %dma_wait3A_154 = tpu.memref_slice %arg2[%dma_wait3A_152, %dma_wait3A_151, %dma_wait3A_153] : memref<25000x2x128xi32, #tpu.memory_space<hbm>> -> memref<25x1x128xi32, #tpu.memory_space<hbm>>
      %dma_wait3A_155 = tpu.memref_squeeze %dma_wait3A_154 : memref<25x1x128xi32, #tpu.memory_space<hbm>> -> memref<25x128xi32, #tpu.memory_space<hbm>>
      %dma_wait3A_156 = arith.constant 0 : i32
      %dma_wait3A_157 = arith.constant 0 : i32
      %dma_wait3A_158 = tpu.memref_slice %arg2[%dma_wait3A_156, %dma_wait3A_151, %dma_wait3A_157] : memref<25000x2x128xi32, #tpu.memory_space<hbm>> -> memref<25x1x128xi32, #tpu.memory_space<hbm>>
      %dma_wait3A_159 = tpu.memref_squeeze %dma_wait3A_158 : memref<25x1x128xi32, #tpu.memory_space<hbm>> -> memref<25x128xi32, #tpu.memory_space<hbm>>
      tpu.wait_dma2 semaphore(%arg15 : memref<!tpu.dma_semaphore, #tpu.memory_space<semaphore_mem>>) src(%dma_wait3A_159 : memref<25x128xi32, #tpu.memory_space<hbm>>) dst(%arg7 : memref<25x128xi32, #tpu.memory_space<vmem>>)
      %dma_wait3A_160 = arith.constant 0 : i32
      %dma_wait3A_161 = arith.constant 0 : i32
      %dma_wait3A_162 = arith.constant 0 : i32
      %dma_wait3A_163 = arith.constant 0 : i32
      %dma_wait3A_164 = tpu.memref_slice %arg3[%dma_wait3A_160, %dma_wait3A_162, %dma_wait3A_161, %dma_wait3A_163] : memref<2x25000x8x128xf32, #tpu.memory_space<hbm>> -> memref<1x25x1x128xf32, #tpu.memory_space<hbm>>
      %dma_wait3A_165 = tpu.memref_squeeze %dma_wait3A_164 : memref<1x25x1x128xf32, #tpu.memory_space<hbm>> -> memref<25x128xf32, #tpu.memory_space<hbm>>
      %dma_wait3A_166 = arith.constant 0 : i32
      %dma_wait3A_167 = arith.constant 0 : i32
      %dma_wait3A_168 = tpu.memref_slice %arg3[%dma_wait3A_160, %dma_wait3A_166, %dma_wait3A_161, %dma_wait3A_167] : memref<2x25000x8x128xf32, #tpu.memory_space<hbm>> -> memref<1x25x1x128xf32, #tpu.memory_space<hbm>>
      %dma_wait3A_169 = tpu.memref_squeeze %dma_wait3A_168 : memref<1x25x1x128xf32, #tpu.memory_space<hbm>> -> memref<25x128xf32, #tpu.memory_space<hbm>>
      tpu.wait_dma2 semaphore(%arg16 : memref<!tpu.dma_semaphore, #tpu.memory_space<semaphore_mem>>) src(%dma_wait3A_169 : memref<25x128xf32, #tpu.memory_space<hbm>>) dst(%arg11 : memref<25x128xf32, #tpu.memory_space<vmem>>)
      %parallel_loop3A_170 = arith.constant 0 : i32
      %parallel_loop3A_171 = arith.constant 25 : i32
      %parallel_loop3A_172 = arith.constant 1 : i32
      scf.for %parallel_loop3A_244 = %parallel_loop3A_170 to %parallel_loop3A_171 step %parallel_loop3A_172  : i32 {
        %parallel_loop3A_245 = arith.index_cast %parallel_loop3A_244 : i32 to index
        %parallel_loop3A_246 = arith.constant 0 : index
        %parallel_loop3A_247 = tpu.vector_load %arg7[%parallel_loop3A_245, %parallel_loop3A_246] {strides = array<i32>} : memref<25x128xi32, #tpu.memory_space<vmem>>, vector<16xi32>,
        %parallel_loop3A_248 = arith.index_cast %parallel_loop3A_244 : i32 to index
        %parallel_loop3A_249 = arith.constant 0 : index
        %parallel_loop3A_250 = tpu.vector_load %arg11[%parallel_loop3A_248, %parallel_loop3A_249] {strides = array<i32>} : memref<25x128xf32, #tpu.memory_space<vmem>>, vector<16xf32>,
        tpu.vector_store_idx %arg14[%parallel_loop3A_247], %parallel_loop3A_250 {add = true} : memref<100000xf32, #tpu.memory_space<vmem>>[vector<16xi32>], vector<16xf32>,
        %parallel_loop3A_251 = arith.index_cast %parallel_loop3A_244 : i32 to index
        %parallel_loop3A_252 = arith.constant 16 : index
        %parallel_loop3A_253 = tpu.vector_load %arg7[%parallel_loop3A_251, %parallel_loop3A_252] {strides = array<i32>} : memref<25x128xi32, #tpu.memory_space<vmem>>, vector<16xi32>,
        %parallel_loop3A_254 = arith.index_cast %parallel_loop3A_244 : i32 to index
        %parallel_loop3A_255 = arith.constant 16 : index
        %parallel_loop3A_256 = tpu.vector_load %arg11[%parallel_loop3A_254, %parallel_loop3A_255] {strides = array<i32>} : memref<25x128xf32, #tpu.memory_space<vmem>>, vector<16xf32>,
        tpu.vector_store_idx %arg14[%parallel_loop3A_253], %parallel_loop3A_256 {add = true} : memref<100000xf32, #tpu.memory_space<vmem>>[vector<16xi32>], vector<16xf32>,
        %parallel_loop3A_257 = arith.index_cast %parallel_loop3A_244 : i32 to index
        %parallel_loop3A_258 = arith.constant 32 : index
        %parallel_loop3A_259 = tpu.vector_load %arg7[%parallel_loop3A_257, %parallel_loop3A_258] {strides = array<i32>} : memref<25x128xi32, #tpu.memory_space<vmem>>, vector<16xi32>,
        %parallel_loop3A_260 = arith.index_cast %parallel_loop3A_244 : i32 to index
        %parallel_loop3A_261 = arith.constant 32 : index
        %parallel_loop3A_262 = tpu.vector_load %arg11[%parallel_loop3A_260, %parallel_loop3A_261] {strides = array<i32>} : memref<25x128xf32, #tpu.memory_space<vmem>>, vector<16xf32>,
        tpu.vector_store_idx %arg14[%parallel_loop3A_259], %parallel_loop3A_262 {add = true} : memref<100000xf32, #tpu.memory_space<vmem>>[vector<16xi32>], vector<16xf32>,
        %parallel_loop3A_263 = arith.index_cast %parallel_loop3A_244 : i32 to index
        %parallel_loop3A_264 = arith.constant 48 : index
        %parallel_loop3A_265 = tpu.vector_load %arg7[%parallel_loop3A_263, %parallel_loop3A_264] {strides = array<i32>} : memref<25x128xi32, #tpu.memory_space<vmem>>, vector<16xi32>,
        %parallel_loop3A_266 = arith.index_cast %parallel_loop3A_244 : i32 to index
        %parallel_loop3A_267 = arith.constant 48 : index
        %parallel_loop3A_268 = tpu.vector_load %arg11[%parallel_loop3A_266, %parallel_loop3A_267] {strides = array<i32>} : memref<25x128xf32, #tpu.memory_space<vmem>>, vector<16xf32>,
        tpu.vector_store_idx %arg14[%parallel_loop3A_265], %parallel_loop3A_268 {add = true} : memref<100000xf32, #tpu.memory_space<vmem>>[vector<16xi32>], vector<16xf32>,
        %parallel_loop3A_269 = arith.index_cast %parallel_loop3A_244 : i32 to index
        %parallel_loop3A_270 = arith.constant 64 : index
        %parallel_loop3A_271 = tpu.vector_load %arg7[%parallel_loop3A_269, %parallel_loop3A_270] {strides = array<i32>} : memref<25x128xi32, #tpu.memory_space<vmem>>, vector<16xi32>,
        %parallel_loop3A_272 = arith.index_cast %parallel_loop3A_244 : i32 to index
        %parallel_loop3A_273 = arith.constant 64 : index
        %parallel_loop3A_274 = tpu.vector_load %arg11[%parallel_loop3A_272, %parallel_loop3A_273] {strides = array<i32>} : memref<25x128xf32, #tpu.memory_space<vmem>>, vector<16xf32>,
        tpu.vector_store_idx %arg14[%parallel_loop3A_271], %parallel_loop3A_274 {add = true} : memref<100000xf32, #tpu.memory_space<vmem>>[vector<16xi32>], vector<16xf32>,
        %parallel_loop3A_275 = arith.index_cast %parallel_loop3A_244 : i32 to index
        %parallel_loop3A_276 = arith.constant 80 : index
        %parallel_loop3A_277 = tpu.vector_load %arg7[%parallel_loop3A_275, %parallel_loop3A_276] {strides = array<i32>} : memref<25x128xi32, #tpu.memory_space<vmem>>, vector<16xi32>,
        %parallel_loop3A_278 = arith.index_cast %parallel_loop3A_244 : i32 to index
        %parallel_loop3A_279 = arith.constant 80 : index
        %parallel_loop3A_280 = tpu.vector_load %arg11[%parallel_loop3A_278, %parallel_loop3A_279] {strides = array<i32>} : memref<25x128xf32, #tpu.memory_space<vmem>>, vector<16xf32>,
        tpu.vector_store_idx %arg14[%parallel_loop3A_277], %parallel_loop3A_280 {add = true} : memref<100000xf32, #tpu.memory_space<vmem>>[vector<16xi32>], vector<16xf32>,
        %parallel_loop3A_281 = arith.index_cast %parallel_loop3A_244 : i32 to index
        %parallel_loop3A_282 = arith.constant 96 : index
        %parallel_loop3A_283 = tpu.vector_load %arg7[%parallel_loop3A_281, %parallel_loop3A_282] {strides = array<i32>} : memref<25x128xi32, #tpu.memory_space<vmem>>, vector<16xi32>,
        %parallel_loop3A_284 = arith.index_cast %parallel_loop3A_244 : i32 to index
        %parallel_loop3A_285 = arith.constant 96 : index
        %parallel_loop3A_286 = tpu.vector_load %arg11[%parallel_loop3A_284, %parallel_loop3A_285] {strides = array<i32>} : memref<25x128xf32, #tpu.memory_space<vmem>>, vector<16xf32>,
        tpu.vector_store_idx %arg14[%parallel_loop3A_283], %parallel_loop3A_286 {add = true} : memref<100000xf32, #tpu.memory_space<vmem>>[vector<16xi32>], vector<16xf32>,
        %parallel_loop3A_287 = arith.index_cast %parallel_loop3A_244 : i32 to index
        %parallel_loop3A_288 = arith.constant 112 : index
        %parallel_loop3A_289 = tpu.vector_load %arg7[%parallel_loop3A_287, %parallel_loop3A_288] {strides = array<i32>} : memref<25x128xi32, #tpu.memory_space<vmem>>, vector<16xi32>,
        %parallel_loop3A_290 = arith.index_cast %parallel_loop3A_244 : i32 to index
        %parallel_loop3A_291 = arith.constant 112 : index
        %parallel_loop3A_292 = tpu.vector_load %arg11[%parallel_loop3A_290, %parallel_loop3A_291] {strides = array<i32>} : memref<25x128xf32, #tpu.memory_space<vmem>>, vector<16xf32>,
        tpu.vector_store_idx %arg14[%parallel_loop3A_289], %parallel_loop3A_292 {add = true} : memref<100000xf32, #tpu.memory_space<vmem>>[vector<16xi32>], vector<16xf32>,
      } {sc.loop_unroll_factor = 2 : i64, sc.parallel_access}
      %add3A_173 = arith.constant 1 : i32
      %add3A_174 = arith.addi %add3A_121, %add3A_173 : i32
      %add3A_175 = arith.constant 4 : i32
      %add3A_176 = arith.addi %add3A_174, %add3A_175 : i32
      %lt3A_177 = arith.constant 1000 : i32
      %lt3A_178 = arith.cmpi slt, %add3A_176, %lt3A_177 : i32
      %convert_element_type3A_179 = arith.extui %lt3A_178 : i1 to i32
      %cond3A_180 = arith.constant 0 : i32
      %cond3A_181 = arith.cmpi ne, %convert_element_type3A_179, %cond3A_180 : i32
      scf.if %cond3A_181 {
        %add3A_244 = arith.constant 1 : i32
        %add3A_245 = arith.addi %add3A_121, %add3A_244 : i32
        %add3A_246 = arith.constant 4 : i32
        %add3A_247 = arith.addi %add3A_245, %add3A_246 : i32
        %eq3A_248 = arith.constant 0 : i32
        %eq3A_249 = arith.cmpi eq, %arg0, %eq3A_248 : i32
        %convert_element_type3A_250 = arith.extui %eq3A_249 : i1 to i32
        %cond3A_251 = arith.constant 0 : i32
        %cond3A_252 = arith.cmpi ne, %convert_element_type3A_250, %cond3A_251 : i32
        scf.if %cond3A_252 {
          %mul3A_266 = arith.constant 25 : i32
          %mul3A_267 = arith.muli %add3A_247, %mul3A_266 : i32
          %dma_start3A_268 = arith.constant 1 : i32
          %dma_start3A_269 = arith.constant 0 : i32
          %dma_start3A_270 = tpu.memref_slice %arg2[%mul3A_267, %dma_start3A_268, %dma_start3A_269] : memref<25000x2x128xi32, #tpu.memory_space<hbm>> -> memref<25x1x128xi32, #tpu.memory_space<hbm>>
          %dma_start3A_271 = tpu.memref_squeeze %dma_start3A_270 : memref<25x1x128xi32, #tpu.memory_space<hbm>> -> memref<25x128xi32, #tpu.memory_space<hbm>>
          %dma_start3A_272 = arith.constant 0 : i32
          %dma_start3A_273 = tpu.memref_slice %arg2[%mul3A_267, %dma_start3A_268, %dma_start3A_272] : memref<25000x2x128xi32, #tpu.memory_space<hbm>> -> memref<25x1x128xi32, #tpu.memory_space<hbm>>
          %dma_start3A_274 = tpu.memref_squeeze %dma_start3A_273 : memref<25x1x128xi32, #tpu.memory_space<hbm>> -> memref<25x128xi32, #tpu.memory_space<hbm>>
          tpu.enqueue_dma source(%dma_start3A_274 : memref<25x128xi32, #tpu.memory_space<hbm>>) target(%arg7 : memref<25x128xi32, #tpu.memory_space<vmem>>) target_semaphore(%arg15 : memref<!tpu.dma_semaphore, #tpu.memory_space<semaphore_mem>>)
        } else {
        }
        %eq3A_253 = arith.constant 1 : i32
        %eq3A_254 = arith.cmpi eq, %arg0, %eq3A_253 : i32
        %convert_element_type3A_255 = arith.extui %eq3A_254 : i1 to i32
        %cond3A_256 = arith.constant 0 : i32
        %cond3A_257 = arith.cmpi ne, %convert_element_type3A_255, %cond3A_256 : i32
        scf.if %cond3A_257 {
          %mul3A_266 = arith.constant 25 : i32
          %mul3A_267 = arith.muli %add3A_247, %mul3A_266 : i32
          %dma_start3A_268 = arith.constant 0 : i32
          %dma_start3A_269 = arith.constant 0 : i32
          %dma_start3A_270 = tpu.memref_slice %arg2[%mul3A_267, %dma_start3A_268, %dma_start3A_269] : memref<25000x2x128xi32, #tpu.memory_space<hbm>> -> memref<25x1x128xi32, #tpu.memory_space<hbm>>
          %dma_start3A_271 = tpu.memref_squeeze %dma_start3A_270 : memref<25x1x128xi32, #tpu.memory_space<hbm>> -> memref<25x128xi32, #tpu.memory_space<hbm>>
          %dma_start3A_272 = arith.constant 0 : i32
          %dma_start3A_273 = tpu.memref_slice %arg2[%mul3A_267, %dma_start3A_268, %dma_start3A_272] : memref<25000x2x128xi32, #tpu.memory_space<hbm>> -> memref<25x1x128xi32, #tpu.memory_space<hbm>>
          %dma_start3A_274 = tpu.memref_squeeze %dma_start3A_273 : memref<25x1x128xi32, #tpu.memory_space<hbm>> -> memref<25x128xi32, #tpu.memory_space<hbm>>
          tpu.enqueue_dma source(%dma_start3A_274 : memref<25x128xi32, #tpu.memory_space<hbm>>) target(%arg7 : memref<25x128xi32, #tpu.memory_space<vmem>>) target_semaphore(%arg15 : memref<!tpu.dma_semaphore, #tpu.memory_space<semaphore_mem>>)
        } else {
        }
        %mul3A_258 = arith.constant 25 : i32
        %mul3A_259 = arith.muli %add3A_247, %mul3A_258 : i32
        %dma_start3A_260 = arith.constant 0 : i32
        %dma_start3A_261 = tpu.memref_slice %arg3[%select_n3A, %mul3A_259, %select_n3A_28, %dma_start3A_260] : memref<2x25000x8x128xf32, #tpu.memory_space<hbm>> -> memref<1x25x1x128xf32, #tpu.memory_space<hbm>>
        %dma_start3A_262 = tpu.memref_squeeze %dma_start3A_261 : memref<1x25x1x128xf32, #tpu.memory_space<hbm>> -> memref<25x128xf32, #tpu.memory_space<hbm>>
        %dma_start3A_263 = arith.constant 0 : i32
        %dma_start3A_264 = tpu.memref_slice %arg3[%select_n3A, %mul3A_259, %select_n3A_28, %dma_start3A_263] : memref<2x25000x8x128xf32, #tpu.memory_space<hbm>> -> memref<1x25x1x128xf32, #tpu.memory_space<hbm>>
        %dma_start3A_265 = tpu.memref_squeeze %dma_start3A_264 : memref<1x25x1x128xf32, #tpu.memory_space<hbm>> -> memref<25x128xf32, #tpu.memory_space<hbm>>
        tpu.enqueue_dma source(%dma_start3A_265 : memref<25x128xf32, #tpu.memory_space<hbm>>) target(%arg11 : memref<25x128xf32, #tpu.memory_space<vmem>>) target_semaphore(%arg16 : memref<!tpu.dma_semaphore, #tpu.memory_space<semaphore_mem>>)
      } else {
      }
      %dma_wait3A_182 = arith.constant 0 : i32
      %dma_wait3A_183 = arith.constant 0 : i32
      %dma_wait3A_184 = arith.constant 0 : i32
      %dma_wait3A_185 = tpu.memref_slice %arg2[%dma_wait3A_183, %dma_wait3A_182, %dma_wait3A_184] : memref<25000x2x128xi32, #tpu.memory_space<hbm>> -> memref<25x1x128xi32, #tpu.memory_space<hbm>>
      %dma_wait3A_186 = tpu.memref_squeeze %dma_wait3A_185 : memref<25x1x128xi32, #tpu.memory_space<hbm>> -> memref<25x128xi32, #tpu.memory_space<hbm>>
      %dma_wait3A_187 = arith.constant 0 : i32
      %dma_wait3A_188 = arith.constant 0 : i32
      %dma_wait3A_189 = tpu.memref_slice %arg2[%dma_wait3A_187, %dma_wait3A_182, %dma_wait3A_188] : memref<25000x2x128xi32, #tpu.memory_space<hbm>> -> memref<25x1x128xi32, #tpu.memory_space<hbm>>
      %dma_wait3A_190 = tpu.memref_squeeze %dma_wait3A_189 : memref<25x1x128xi32, #tpu.memory_space<hbm>> -> memref<25x128xi32, #tpu.memory_space<hbm>>
      tpu.wait_dma2 semaphore(%arg15 : memref<!tpu.dma_semaphore, #tpu.memory_space<semaphore_mem>>) src(%dma_wait3A_190 : memref<25x128xi32, #tpu.memory_space<hbm>>) dst(%arg8 : memref<25x128xi32, #tpu.memory_space<vmem>>)
      %dma_wait3A_191 = arith.constant 0 : i32
      %dma_wait3A_192 = arith.constant 0 : i32
      %dma_wait3A_193 = arith.constant 0 : i32
      %dma_wait3A_194 = arith.constant 0 : i32
      %dma_wait3A_195 = tpu.memref_slice %arg3[%dma_wait3A_191, %dma_wait3A_193, %dma_wait3A_192, %dma_wait3A_194] : memref<2x25000x8x128xf32, #tpu.memory_space<hbm>> -> memref<1x25x1x128xf32, #tpu.memory_space<hbm>>
      %dma_wait3A_196 = tpu.memref_squeeze %dma_wait3A_195 : memref<1x25x1x128xf32, #tpu.memory_space<hbm>> -> memref<25x128xf32, #tpu.memory_space<hbm>>
      %dma_wait3A_197 = arith.constant 0 : i32
      %dma_wait3A_198 = arith.constant 0 : i32
      %dma_wait3A_199 = tpu.memref_slice %arg3[%dma_wait3A_191, %dma_wait3A_197, %dma_wait3A_192, %dma_wait3A_198] : memref<2x25000x8x128xf32, #tpu.memory_space<hbm>> -> memref<1x25x1x128xf32, #tpu.memory_space<hbm>>
      %dma_wait3A_200 = tpu.memref_squeeze %dma_wait3A_199 : memref<1x25x1x128xf32, #tpu.memory_space<hbm>> -> memref<25x128xf32, #tpu.memory_space<hbm>>
      tpu.wait_dma2 semaphore(%arg16 : memref<!tpu.dma_semaphore, #tpu.memory_space<semaphore_mem>>) src(%dma_wait3A_200 : memref<25x128xf32, #tpu.memory_space<hbm>>) dst(%arg12 : memref<25x128xf32, #tpu.memory_space<vmem>>)
      %parallel_loop3A_201 = arith.constant 0 : i32
      %parallel_loop3A_202 = arith.constant 25 : i32
      %parallel_loop3A_203 = arith.constant 1 : i32
      scf.for %parallel_loop3A_244 = %parallel_loop3A_201 to %parallel_loop3A_202 step %parallel_loop3A_203  : i32 {
        %parallel_loop3A_245 = arith.index_cast %parallel_loop3A_244 : i32 to index
        %parallel_loop3A_246 = arith.constant 0 : index
        %parallel_loop3A_247 = tpu.vector_load %arg8[%parallel_loop3A_245, %parallel_loop3A_246] {strides = array<i32>} : memref<25x128xi32, #tpu.memory_space<vmem>>, vector<16xi32>,
        %parallel_loop3A_248 = arith.index_cast %parallel_loop3A_244 : i32 to index
        %parallel_loop3A_249 = arith.constant 0 : index
        %parallel_loop3A_250 = tpu.vector_load %arg12[%parallel_loop3A_248, %parallel_loop3A_249] {strides = array<i32>} : memref<25x128xf32, #tpu.memory_space<vmem>>, vector<16xf32>,
        tpu.vector_store_idx %arg14[%parallel_loop3A_247], %parallel_loop3A_250 {add = true} : memref<100000xf32, #tpu.memory_space<vmem>>[vector<16xi32>], vector<16xf32>,
        %parallel_loop3A_251 = arith.index_cast %parallel_loop3A_244 : i32 to index
        %parallel_loop3A_252 = arith.constant 16 : index
        %parallel_loop3A_253 = tpu.vector_load %arg8[%parallel_loop3A_251, %parallel_loop3A_252] {strides = array<i32>} : memref<25x128xi32, #tpu.memory_space<vmem>>, vector<16xi32>,
        %parallel_loop3A_254 = arith.index_cast %parallel_loop3A_244 : i32 to index
        %parallel_loop3A_255 = arith.constant 16 : index
        %parallel_loop3A_256 = tpu.vector_load %arg12[%parallel_loop3A_254, %parallel_loop3A_255] {strides = array<i32>} : memref<25x128xf32, #tpu.memory_space<vmem>>, vector<16xf32>,
        tpu.vector_store_idx %arg14[%parallel_loop3A_253], %parallel_loop3A_256 {add = true} : memref<100000xf32, #tpu.memory_space<vmem>>[vector<16xi32>], vector<16xf32>,
        %parallel_loop3A_257 = arith.index_cast %parallel_loop3A_244 : i32 to index
        %parallel_loop3A_258 = arith.constant 32 : index
        %parallel_loop3A_259 = tpu.vector_load %arg8[%parallel_loop3A_257, %parallel_loop3A_258] {strides = array<i32>} : memref<25x128xi32, #tpu.memory_space<vmem>>, vector<16xi32>,
        %parallel_loop3A_260 = arith.index_cast %parallel_loop3A_244 : i32 to index
        %parallel_loop3A_261 = arith.constant 32 : index
        %parallel_loop3A_262 = tpu.vector_load %arg12[%parallel_loop3A_260, %parallel_loop3A_261] {strides = array<i32>} : memref<25x128xf32, #tpu.memory_space<vmem>>, vector<16xf32>,
        tpu.vector_store_idx %arg14[%parallel_loop3A_259], %parallel_loop3A_262 {add = true} : memref<100000xf32, #tpu.memory_space<vmem>>[vector<16xi32>], vector<16xf32>,
        %parallel_loop3A_263 = arith.index_cast %parallel_loop3A_244 : i32 to index
        %parallel_loop3A_264 = arith.constant 48 : index
        %parallel_loop3A_265 = tpu.vector_load %arg8[%parallel_loop3A_263, %parallel_loop3A_264] {strides = array<i32>} : memref<25x128xi32, #tpu.memory_space<vmem>>, vector<16xi32>,
        %parallel_loop3A_266 = arith.index_cast %parallel_loop3A_244 : i32 to index
        %parallel_loop3A_267 = arith.constant 48 : index
        %parallel_loop3A_268 = tpu.vector_load %arg12[%parallel_loop3A_266, %parallel_loop3A_267] {strides = array<i32>} : memref<25x128xf32, #tpu.memory_space<vmem>>, vector<16xf32>,
        tpu.vector_store_idx %arg14[%parallel_loop3A_265], %parallel_loop3A_268 {add = true} : memref<100000xf32, #tpu.memory_space<vmem>>[vector<16xi32>], vector<16xf32>,
        %parallel_loop3A_269 = arith.index_cast %parallel_loop3A_244 : i32 to index
        %parallel_loop3A_270 = arith.constant 64 : index
        %parallel_loop3A_271 = tpu.vector_load %arg8[%parallel_loop3A_269, %parallel_loop3A_270] {strides = array<i32>} : memref<25x128xi32, #tpu.memory_space<vmem>>, vector<16xi32>,
        %parallel_loop3A_272 = arith.index_cast %parallel_loop3A_244 : i32 to index
        %parallel_loop3A_273 = arith.constant 64 : index
        %parallel_loop3A_274 = tpu.vector_load %arg12[%parallel_loop3A_272, %parallel_loop3A_273] {strides = array<i32>} : memref<25x128xf32, #tpu.memory_space<vmem>>, vector<16xf32>,
        tpu.vector_store_idx %arg14[%parallel_loop3A_271], %parallel_loop3A_274 {add = true} : memref<100000xf32, #tpu.memory_space<vmem>>[vector<16xi32>], vector<16xf32>,
        %parallel_loop3A_275 = arith.index_cast %parallel_loop3A_244 : i32 to index
        %parallel_loop3A_276 = arith.constant 80 : index
        %parallel_loop3A_277 = tpu.vector_load %arg8[%parallel_loop3A_275, %parallel_loop3A_276] {strides = array<i32>} : memref<25x128xi32, #tpu.memory_space<vmem>>, vector<16xi32>,
        %parallel_loop3A_278 = arith.index_cast %parallel_loop3A_244 : i32 to index
        %parallel_loop3A_279 = arith.constant 80 : index
        %parallel_loop3A_280 = tpu.vector_load %arg12[%parallel_loop3A_278, %parallel_loop3A_279] {strides = array<i32>} : memref<25x128xf32, #tpu.memory_space<vmem>>, vector<16xf32>,
        tpu.vector_store_idx %arg14[%parallel_loop3A_277], %parallel_loop3A_280 {add = true} : memref<100000xf32, #tpu.memory_space<vmem>>[vector<16xi32>], vector<16xf32>,
        %parallel_loop3A_281 = arith.index_cast %parallel_loop3A_244 : i32 to index
        %parallel_loop3A_282 = arith.constant 96 : index
        %parallel_loop3A_283 = tpu.vector_load %arg8[%parallel_loop3A_281, %parallel_loop3A_282] {strides = array<i32>} : memref<25x128xi32, #tpu.memory_space<vmem>>, vector<16xi32>,
        %parallel_loop3A_284 = arith.index_cast %parallel_loop3A_244 : i32 to index
        %parallel_loop3A_285 = arith.constant 96 : index
        %parallel_loop3A_286 = tpu.vector_load %arg12[%parallel_loop3A_284, %parallel_loop3A_285] {strides = array<i32>} : memref<25x128xf32, #tpu.memory_space<vmem>>, vector<16xf32>,
        tpu.vector_store_idx %arg14[%parallel_loop3A_283], %parallel_loop3A_286 {add = true} : memref<100000xf32, #tpu.memory_space<vmem>>[vector<16xi32>], vector<16xf32>,
        %parallel_loop3A_287 = arith.index_cast %parallel_loop3A_244 : i32 to index
        %parallel_loop3A_288 = arith.constant 112 : index
        %parallel_loop3A_289 = tpu.vector_load %arg8[%parallel_loop3A_287, %parallel_loop3A_288] {strides = array<i32>} : memref<25x128xi32, #tpu.memory_space<vmem>>, vector<16xi32>,
        %parallel_loop3A_290 = arith.index_cast %parallel_loop3A_244 : i32 to index
        %parallel_loop3A_291 = arith.constant 112 : index
        %parallel_loop3A_292 = tpu.vector_load %arg12[%parallel_loop3A_290, %parallel_loop3A_291] {strides = array<i32>} : memref<25x128xf32, #tpu.memory_space<vmem>>, vector<16xf32>,
        tpu.vector_store_idx %arg14[%parallel_loop3A_289], %parallel_loop3A_292 {add = true} : memref<100000xf32, #tpu.memory_space<vmem>>[vector<16xi32>], vector<16xf32>,
      } {sc.loop_unroll_factor = 2 : i64, sc.parallel_access}
      %add3A_204 = arith.constant 2 : i32
      %add3A_205 = arith.addi %add3A_121, %add3A_204 : i32
      %add3A_206 = arith.constant 4 : i32
      %add3A_207 = arith.addi %add3A_205, %add3A_206 : i32
      %lt3A_208 = arith.constant 1000 : i32
      %lt3A_209 = arith.cmpi slt, %add3A_207, %lt3A_208 : i32
      %convert_element_type3A_210 = arith.extui %lt3A_209 : i1 to i32
      %cond3A_211 = arith.constant 0 : i32
      %cond3A_212 = arith.cmpi ne, %convert_element_type3A_210, %cond3A_211 : i32
      scf.if %cond3A_212 {
        %add3A_244 = arith.constant 2 : i32
        %add3A_245 = arith.addi %add3A_121, %add3A_244 : i32
        %add3A_246 = arith.constant 4 : i32
        %add3A_247 = arith.addi %add3A_245, %add3A_246 : i32
        %eq3A_248 = arith.constant 0 : i32
        %eq3A_249 = arith.cmpi eq, %arg0, %eq3A_248 : i32
        %convert_element_type3A_250 = arith.extui %eq3A_249 : i1 to i32
        %cond3A_251 = arith.constant 0 : i32
        %cond3A_252 = arith.cmpi ne, %convert_element_type3A_250, %cond3A_251 : i32
        scf.if %cond3A_252 {
          %mul3A_266 = arith.constant 25 : i32
          %mul3A_267 = arith.muli %add3A_247, %mul3A_266 : i32
          %dma_start3A_268 = arith.constant 1 : i32
          %dma_start3A_269 = arith.constant 0 : i32
          %dma_start3A_270 = tpu.memref_slice %arg2[%mul3A_267, %dma_start3A_268, %dma_start3A_269] : memref<25000x2x128xi32, #tpu.memory_space<hbm>> -> memref<25x1x128xi32, #tpu.memory_space<hbm>>
          %dma_start3A_271 = tpu.memref_squeeze %dma_start3A_270 : memref<25x1x128xi32, #tpu.memory_space<hbm>> -> memref<25x128xi32, #tpu.memory_space<hbm>>
          %dma_start3A_272 = arith.constant 0 : i32
          %dma_start3A_273 = tpu.memref_slice %arg2[%mul3A_267, %dma_start3A_268, %dma_start3A_272] : memref<25000x2x128xi32, #tpu.memory_space<hbm>> -> memref<25x1x128xi32, #tpu.memory_space<hbm>>
          %dma_start3A_274 = tpu.memref_squeeze %dma_start3A_273 : memref<25x1x128xi32, #tpu.memory_space<hbm>> -> memref<25x128xi32, #tpu.memory_space<hbm>>
          tpu.enqueue_dma source(%dma_start3A_274 : memref<25x128xi32, #tpu.memory_space<hbm>>) target(%arg8 : memref<25x128xi32, #tpu.memory_space<vmem>>) target_semaphore(%arg15 : memref<!tpu.dma_semaphore, #tpu.memory_space<semaphore_mem>>)
        } else {
        }
        %eq3A_253 = arith.constant 1 : i32
        %eq3A_254 = arith.cmpi eq, %arg0, %eq3A_253 : i32
        %convert_element_type3A_255 = arith.extui %eq3A_254 : i1 to i32
        %cond3A_256 = arith.constant 0 : i32
        %cond3A_257 = arith.cmpi ne, %convert_element_type3A_255, %cond3A_256 : i32
        scf.if %cond3A_257 {
          %mul3A_266 = arith.constant 25 : i32
          %mul3A_267 = arith.muli %add3A_247, %mul3A_266 : i32
          %dma_start3A_268 = arith.constant 0 : i32
          %dma_start3A_269 = arith.constant 0 : i32
          %dma_start3A_270 = tpu.memref_slice %arg2[%mul3A_267, %dma_start3A_268, %dma_start3A_269] : memref<25000x2x128xi32, #tpu.memory_space<hbm>> -> memref<25x1x128xi32, #tpu.memory_space<hbm>>
          %dma_start3A_271 = tpu.memref_squeeze %dma_start3A_270 : memref<25x1x128xi32, #tpu.memory_space<hbm>> -> memref<25x128xi32, #tpu.memory_space<hbm>>
          %dma_start3A_272 = arith.constant 0 : i32
          %dma_start3A_273 = tpu.memref_slice %arg2[%mul3A_267, %dma_start3A_268, %dma_start3A_272] : memref<25000x2x128xi32, #tpu.memory_space<hbm>> -> memref<25x1x128xi32, #tpu.memory_space<hbm>>
          %dma_start3A_274 = tpu.memref_squeeze %dma_start3A_273 : memref<25x1x128xi32, #tpu.memory_space<hbm>> -> memref<25x128xi32, #tpu.memory_space<hbm>>
          tpu.enqueue_dma source(%dma_start3A_274 : memref<25x128xi32, #tpu.memory_space<hbm>>) target(%arg8 : memref<25x128xi32, #tpu.memory_space<vmem>>) target_semaphore(%arg15 : memref<!tpu.dma_semaphore, #tpu.memory_space<semaphore_mem>>)
        } else {
        }
        %mul3A_258 = arith.constant 25 : i32
        %mul3A_259 = arith.muli %add3A_247, %mul3A_258 : i32
        %dma_start3A_260 = arith.constant 0 : i32
        %dma_start3A_261 = tpu.memref_slice %arg3[%select_n3A, %mul3A_259, %select_n3A_28, %dma_start3A_260] : memref<2x25000x8x128xf32, #tpu.memory_space<hbm>> -> memref<1x25x1x128xf32, #tpu.memory_space<hbm>>
        %dma_start3A_262 = tpu.memref_squeeze %dma_start3A_261 : memref<1x25x1x128xf32, #tpu.memory_space<hbm>> -> memref<25x128xf32, #tpu.memory_space<hbm>>
        %dma_start3A_263 = arith.constant 0 : i32
        %dma_start3A_264 = tpu.memref_slice %arg3[%select_n3A, %mul3A_259, %select_n3A_28, %dma_start3A_263] : memref<2x25000x8x128xf32, #tpu.memory_space<hbm>> -> memref<1x25x1x128xf32, #tpu.memory_space<hbm>>
        %dma_start3A_265 = tpu.memref_squeeze %dma_start3A_264 : memref<1x25x1x128xf32, #tpu.memory_space<hbm>> -> memref<25x128xf32, #tpu.memory_space<hbm>>
        tpu.enqueue_dma source(%dma_start3A_265 : memref<25x128xf32, #tpu.memory_space<hbm>>) target(%arg12 : memref<25x128xf32, #tpu.memory_space<vmem>>) target_semaphore(%arg16 : memref<!tpu.dma_semaphore, #tpu.memory_space<semaphore_mem>>)
      } else {
      }
      %dma_wait3A_213 = arith.constant 0 : i32
      %dma_wait3A_214 = arith.constant 0 : i32
      %dma_wait3A_215 = arith.constant 0 : i32
      %dma_wait3A_216 = tpu.memref_slice %arg2[%dma_wait3A_214, %dma_wait3A_213, %dma_wait3A_215] : memref<25000x2x128xi32, #tpu.memory_space<hbm>> -> memref<25x1x128xi32, #tpu.memory_space<hbm>>
      %dma_wait3A_217 = tpu.memref_squeeze %dma_wait3A_216 : memref<25x1x128xi32, #tpu.memory_space<hbm>> -> memref<25x128xi32, #tpu.memory_space<hbm>>
      %dma_wait3A_218 = arith.constant 0 : i32
      %dma_wait3A_219 = arith.constant 0 : i32
      %dma_wait3A_220 = tpu.memref_slice %arg2[%dma_wait3A_218, %dma_wait3A_213, %dma_wait3A_219] : memref<25000x2x128xi32, #tpu.memory_space<hbm>> -> memref<25x1x128xi32, #tpu.memory_space<hbm>>
      %dma_wait3A_221 = tpu.memref_squeeze %dma_wait3A_220 : memref<25x1x128xi32, #tpu.memory_space<hbm>> -> memref<25x128xi32, #tpu.memory_space<hbm>>
      tpu.wait_dma2 semaphore(%arg15 : memref<!tpu.dma_semaphore, #tpu.memory_space<semaphore_mem>>) src(%dma_wait3A_221 : memref<25x128xi32, #tpu.memory_space<hbm>>) dst(%arg9 : memref<25x128xi32, #tpu.memory_space<vmem>>)
      %dma_wait3A_222 = arith.constant 0 : i32
      %dma_wait3A_223 = arith.constant 0 : i32
      %dma_wait3A_224 = arith.constant 0 : i32
      %dma_wait3A_225 = arith.constant 0 : i32
      %dma_wait3A_226 = tpu.memref_slice %arg3[%dma_wait3A_222, %dma_wait3A_224, %dma_wait3A_223, %dma_wait3A_225] : memref<2x25000x8x128xf32, #tpu.memory_space<hbm>> -> memref<1x25x1x128xf32, #tpu.memory_space<hbm>>
      %dma_wait3A_227 = tpu.memref_squeeze %dma_wait3A_226 : memref<1x25x1x128xf32, #tpu.memory_space<hbm>> -> memref<25x128xf32, #tpu.memory_space<hbm>>
      %dma_wait3A_228 = arith.constant 0 : i32
      %dma_wait3A_229 = arith.constant 0 : i32
      %dma_wait3A_230 = tpu.memref_slice %arg3[%dma_wait3A_222, %dma_wait3A_228, %dma_wait3A_223, %dma_wait3A_229] : memref<2x25000x8x128xf32, #tpu.memory_space<hbm>> -> memref<1x25x1x128xf32, #tpu.memory_space<hbm>>
      %dma_wait3A_231 = tpu.memref_squeeze %dma_wait3A_230 : memref<1x25x1x128xf32, #tpu.memory_space<hbm>> -> memref<25x128xf32, #tpu.memory_space<hbm>>
      tpu.wait_dma2 semaphore(%arg16 : memref<!tpu.dma_semaphore, #tpu.memory_space<semaphore_mem>>) src(%dma_wait3A_231 : memref<25x128xf32, #tpu.memory_space<hbm>>) dst(%arg13 : memref<25x128xf32, #tpu.memory_space<vmem>>)
      %parallel_loop3A_232 = arith.constant 0 : i32
      %parallel_loop3A_233 = arith.constant 25 : i32
      %parallel_loop3A_234 = arith.constant 1 : i32
      scf.for %parallel_loop3A_244 = %parallel_loop3A_232 to %parallel_loop3A_233 step %parallel_loop3A_234  : i32 {
        %parallel_loop3A_245 = arith.index_cast %parallel_loop3A_244 : i32 to index
        %parallel_loop3A_246 = arith.constant 0 : index
        %parallel_loop3A_247 = tpu.vector_load %arg9[%parallel_loop3A_245, %parallel_loop3A_246] {strides = array<i32>} : memref<25x128xi32, #tpu.memory_space<vmem>>, vector<16xi32>,
        %parallel_loop3A_248 = arith.index_cast %parallel_loop3A_244 : i32 to index
        %parallel_loop3A_249 = arith.constant 0 : index
        %parallel_loop3A_250 = tpu.vector_load %arg13[%parallel_loop3A_248, %parallel_loop3A_249] {strides = array<i32>} : memref<25x128xf32, #tpu.memory_space<vmem>>, vector<16xf32>,
        tpu.vector_store_idx %arg14[%parallel_loop3A_247], %parallel_loop3A_250 {add = true} : memref<100000xf32, #tpu.memory_space<vmem>>[vector<16xi32>], vector<16xf32>,
        %parallel_loop3A_251 = arith.index_cast %parallel_loop3A_244 : i32 to index
        %parallel_loop3A_252 = arith.constant 16 : index
        %parallel_loop3A_253 = tpu.vector_load %arg9[%parallel_loop3A_251, %parallel_loop3A_252] {strides = array<i32>} : memref<25x128xi32, #tpu.memory_space<vmem>>, vector<16xi32>,
        %parallel_loop3A_254 = arith.index_cast %parallel_loop3A_244 : i32 to index
        %parallel_loop3A_255 = arith.constant 16 : index
        %parallel_loop3A_256 = tpu.vector_load %arg13[%parallel_loop3A_254, %parallel_loop3A_255] {strides = array<i32>} : memref<25x128xf32, #tpu.memory_space<vmem>>, vector<16xf32>,
        tpu.vector_store_idx %arg14[%parallel_loop3A_253], %parallel_loop3A_256 {add = true} : memref<100000xf32, #tpu.memory_space<vmem>>[vector<16xi32>], vector<16xf32>,
        %parallel_loop3A_257 = arith.index_cast %parallel_loop3A_244 : i32 to index
        %parallel_loop3A_258 = arith.constant 32 : index
        %parallel_loop3A_259 = tpu.vector_load %arg9[%parallel_loop3A_257, %parallel_loop3A_258] {strides = array<i32>} : memref<25x128xi32, #tpu.memory_space<vmem>>, vector<16xi32>,
        %parallel_loop3A_260 = arith.index_cast %parallel_loop3A_244 : i32 to index
        %parallel_loop3A_261 = arith.constant 32 : index
        %parallel_loop3A_262 = tpu.vector_load %arg13[%parallel_loop3A_260, %parallel_loop3A_261] {strides = array<i32>} : memref<25x128xf32, #tpu.memory_space<vmem>>, vector<16xf32>,
        tpu.vector_store_idx %arg14[%parallel_loop3A_259], %parallel_loop3A_262 {add = true} : memref<100000xf32, #tpu.memory_space<vmem>>[vector<16xi32>], vector<16xf32>,
        %parallel_loop3A_263 = arith.index_cast %parallel_loop3A_244 : i32 to index
        %parallel_loop3A_264 = arith.constant 48 : index
        %parallel_loop3A_265 = tpu.vector_load %arg9[%parallel_loop3A_263, %parallel_loop3A_264] {strides = array<i32>} : memref<25x128xi32, #tpu.memory_space<vmem>>, vector<16xi32>,
        %parallel_loop3A_266 = arith.index_cast %parallel_loop3A_244 : i32 to index
        %parallel_loop3A_267 = arith.constant 48 : index
        %parallel_loop3A_268 = tpu.vector_load %arg13[%parallel_loop3A_266, %parallel_loop3A_267] {strides = array<i32>} : memref<25x128xf32, #tpu.memory_space<vmem>>, vector<16xf32>,
        tpu.vector_store_idx %arg14[%parallel_loop3A_265], %parallel_loop3A_268 {add = true} : memref<100000xf32, #tpu.memory_space<vmem>>[vector<16xi32>], vector<16xf32>,
        %parallel_loop3A_269 = arith.index_cast %parallel_loop3A_244 : i32 to index
        %parallel_loop3A_270 = arith.constant 64 : index
        %parallel_loop3A_271 = tpu.vector_load %arg9[%parallel_loop3A_269, %parallel_loop3A_270] {strides = array<i32>} : memref<25x128xi32, #tpu.memory_space<vmem>>, vector<16xi32>,
        %parallel_loop3A_272 = arith.index_cast %parallel_loop3A_244 : i32 to index
        %parallel_loop3A_273 = arith.constant 64 : index
        %parallel_loop3A_274 = tpu.vector_load %arg13[%parallel_loop3A_272, %parallel_loop3A_273] {strides = array<i32>} : memref<25x128xf32, #tpu.memory_space<vmem>>, vector<16xf32>,
        tpu.vector_store_idx %arg14[%parallel_loop3A_271], %parallel_loop3A_274 {add = true} : memref<100000xf32, #tpu.memory_space<vmem>>[vector<16xi32>], vector<16xf32>,
        %parallel_loop3A_275 = arith.index_cast %parallel_loop3A_244 : i32 to index
        %parallel_loop3A_276 = arith.constant 80 : index
        %parallel_loop3A_277 = tpu.vector_load %arg9[%parallel_loop3A_275, %parallel_loop3A_276] {strides = array<i32>} : memref<25x128xi32, #tpu.memory_space<vmem>>, vector<16xi32>,
        %parallel_loop3A_278 = arith.index_cast %parallel_loop3A_244 : i32 to index
        %parallel_loop3A_279 = arith.constant 80 : index
        %parallel_loop3A_280 = tpu.vector_load %arg13[%parallel_loop3A_278, %parallel_loop3A_279] {strides = array<i32>} : memref<25x128xf32, #tpu.memory_space<vmem>>, vector<16xf32>,
        tpu.vector_store_idx %arg14[%parallel_loop3A_277], %parallel_loop3A_280 {add = true} : memref<100000xf32, #tpu.memory_space<vmem>>[vector<16xi32>], vector<16xf32>,
        %parallel_loop3A_281 = arith.index_cast %parallel_loop3A_244 : i32 to index
        %parallel_loop3A_282 = arith.constant 96 : index
        %parallel_loop3A_283 = tpu.vector_load %arg9[%parallel_loop3A_281, %parallel_loop3A_282] {strides = array<i32>} : memref<25x128xi32, #tpu.memory_space<vmem>>, vector<16xi32>,
        %parallel_loop3A_284 = arith.index_cast %parallel_loop3A_244 : i32 to index
        %parallel_loop3A_285 = arith.constant 96 : index
        %parallel_loop3A_286 = tpu.vector_load %arg13[%parallel_loop3A_284, %parallel_loop3A_285] {strides = array<i32>} : memref<25x128xf32, #tpu.memory_space<vmem>>, vector<16xf32>,
        tpu.vector_store_idx %arg14[%parallel_loop3A_283], %parallel_loop3A_286 {add = true} : memref<100000xf32, #tpu.memory_space<vmem>>[vector<16xi32>], vector<16xf32>,
        %parallel_loop3A_287 = arith.index_cast %parallel_loop3A_244 : i32 to index
        %parallel_loop3A_288 = arith.constant 112 : index
        %parallel_loop3A_289 = tpu.vector_load %arg9[%parallel_loop3A_287, %parallel_loop3A_288] {strides = array<i32>} : memref<25x128xi32, #tpu.memory_space<vmem>>, vector<16xi32>,
        %parallel_loop3A_290 = arith.index_cast %parallel_loop3A_244 : i32 to index
        %parallel_loop3A_291 = arith.constant 112 : index
        %parallel_loop3A_292 = tpu.vector_load %arg13[%parallel_loop3A_290, %parallel_loop3A_291] {strides = array<i32>} : memref<25x128xf32, #tpu.memory_space<vmem>>, vector<16xf32>,
        tpu.vector_store_idx %arg14[%parallel_loop3A_289], %parallel_loop3A_292 {add = true} : memref<100000xf32, #tpu.memory_space<vmem>>[vector<16xi32>], vector<16xf32>,
      } {sc.loop_unroll_factor = 2 : i64, sc.parallel_access}
      %add3A_235 = arith.constant 3 : i32
      %add3A_236 = arith.addi %add3A_121, %add3A_235 : i32
      %add3A_237 = arith.constant 4 : i32
      %add3A_238 = arith.addi %add3A_236, %add3A_237 : i32
      %lt3A_239 = arith.constant 1000 : i32
      %lt3A_240 = arith.cmpi slt, %add3A_238, %lt3A_239 : i32
      %convert_element_type3A_241 = arith.extui %lt3A_240 : i1 to i32
      %cond3A_242 = arith.constant 0 : i32
      %cond3A_243 = arith.cmpi ne, %convert_element_type3A_241, %cond3A_242 : i32
      scf.if %cond3A_243 {
        %add3A_244 = arith.constant 3 : i32
        %add3A_245 = arith.addi %add3A_121, %add3A_244 : i32
        %add3A_246 = arith.constant 4 : i32
        %add3A_247 = arith.addi %add3A_245, %add3A_246 : i32
        %eq3A_248 = arith.constant 0 : i32
        %eq3A_249 = arith.cmpi eq, %arg0, %eq3A_248 : i32
        %convert_element_type3A_250 = arith.extui %eq3A_249 : i1 to i32
        %cond3A_251 = arith.constant 0 : i32
        %cond3A_252 = arith.cmpi ne, %convert_element_type3A_250, %cond3A_251 : i32
        scf.if %cond3A_252 {
          %mul3A_266 = arith.constant 25 : i32
          %mul3A_267 = arith.muli %add3A_247, %mul3A_266 : i32
          %dma_start3A_268 = arith.constant 1 : i32
          %dma_start3A_269 = arith.constant 0 : i32
          %dma_start3A_270 = tpu.memref_slice %arg2[%mul3A_267, %dma_start3A_268, %dma_start3A_269] : memref<25000x2x128xi32, #tpu.memory_space<hbm>> -> memref<25x1x128xi32, #tpu.memory_space<hbm>>
          %dma_start3A_271 = tpu.memref_squeeze %dma_start3A_270 : memref<25x1x128xi32, #tpu.memory_space<hbm>> -> memref<25x128xi32, #tpu.memory_space<hbm>>
          %dma_start3A_272 = arith.constant 0 : i32
          %dma_start3A_273 = tpu.memref_slice %arg2[%mul3A_267, %dma_start3A_268, %dma_start3A_272] : memref<25000x2x128xi32, #tpu.memory_space<hbm>> -> memref<25x1x128xi32, #tpu.memory_space<hbm>>
          %dma_start3A_274 = tpu.memref_squeeze %dma_start3A_273 : memref<25x1x128xi32, #tpu.memory_space<hbm>> -> memref<25x128xi32, #tpu.memory_space<hbm>>
          tpu.enqueue_dma source(%dma_start3A_274 : memref<25x128xi32, #tpu.memory_space<hbm>>) target(%arg9 : memref<25x128xi32, #tpu.memory_space<vmem>>) target_semaphore(%arg15 : memref<!tpu.dma_semaphore, #tpu.memory_space<semaphore_mem>>)
        } else {
        }
        %eq3A_253 = arith.constant 1 : i32
        %eq3A_254 = arith.cmpi eq, %arg0, %eq3A_253 : i32
        %convert_element_type3A_255 = arith.extui %eq3A_254 : i1 to i32
        %cond3A_256 = arith.constant 0 : i32
        %cond3A_257 = arith.cmpi ne, %convert_element_type3A_255, %cond3A_256 : i32
        scf.if %cond3A_257 {
          %mul3A_266 = arith.constant 25 : i32
          %mul3A_267 = arith.muli %add3A_247, %mul3A_266 : i32
          %dma_start3A_268 = arith.constant 0 : i32
          %dma_start3A_269 = arith.constant 0 : i32
          %dma_start3A_270 = tpu.memref_slice %arg2[%mul3A_267, %dma_start3A_268, %dma_start3A_269] : memref<25000x2x128xi32, #tpu.memory_space<hbm>> -> memref<25x1x128xi32, #tpu.memory_space<hbm>>
          %dma_start3A_271 = tpu.memref_squeeze %dma_start3A_270 : memref<25x1x128xi32, #tpu.memory_space<hbm>> -> memref<25x128xi32, #tpu.memory_space<hbm>>
          %dma_start3A_272 = arith.constant 0 : i32
          %dma_start3A_273 = tpu.memref_slice %arg2[%mul3A_267, %dma_start3A_268, %dma_start3A_272] : memref<25000x2x128xi32, #tpu.memory_space<hbm>> -> memref<25x1x128xi32, #tpu.memory_space<hbm>>
          %dma_start3A_274 = tpu.memref_squeeze %dma_start3A_273 : memref<25x1x128xi32, #tpu.memory_space<hbm>> -> memref<25x128xi32, #tpu.memory_space<hbm>>
          tpu.enqueue_dma source(%dma_start3A_274 : memref<25x128xi32, #tpu.memory_space<hbm>>) target(%arg9 : memref<25x128xi32, #tpu.memory_space<vmem>>) target_semaphore(%arg15 : memref<!tpu.dma_semaphore, #tpu.memory_space<semaphore_mem>>)
        } else {
        }
        %mul3A_258 = arith.constant 25 : i32
        %mul3A_259 = arith.muli %add3A_247, %mul3A_258 : i32
        %dma_start3A_260 = arith.constant 0 : i32
        %dma_start3A_261 = tpu.memref_slice %arg3[%select_n3A, %mul3A_259, %select_n3A_28, %dma_start3A_260] : memref<2x25000x8x128xf32, #tpu.memory_space<hbm>> -> memref<1x25x1x128xf32, #tpu.memory_space<hbm>>
        %dma_start3A_262 = tpu.memref_squeeze %dma_start3A_261 : memref<1x25x1x128xf32, #tpu.memory_space<hbm>> -> memref<25x128xf32, #tpu.memory_space<hbm>>
        %dma_start3A_263 = arith.constant 0 : i32
        %dma_start3A_264 = tpu.memref_slice %arg3[%select_n3A, %mul3A_259, %select_n3A_28, %dma_start3A_263] : memref<2x25000x8x128xf32, #tpu.memory_space<hbm>> -> memref<1x25x1x128xf32, #tpu.memory_space<hbm>>
        %dma_start3A_265 = tpu.memref_squeeze %dma_start3A_264 : memref<1x25x1x128xf32, #tpu.memory_space<hbm>> -> memref<25x128xf32, #tpu.memory_space<hbm>>
        tpu.enqueue_dma source(%dma_start3A_265 : memref<25x128xf32, #tpu.memory_space<hbm>>) target(%arg13 : memref<25x128xf32, #tpu.memory_space<vmem>>) target_semaphore(%arg16 : memref<!tpu.dma_semaphore, #tpu.memory_space<semaphore_mem>>)
      } else {
      }
    }
    %scan3A_107 = arith.constant 250 : i32
    %eq3A_108 = arith.constant 0 : i32
    %eq3A_109 = arith.cmpi eq, %arg0, %eq3A_108 : i32
    %convert_element_type3A_110 = arith.extui %eq3A_109 : i1 to i32
    %cond3A_111 = arith.constant 0 : i32
    %cond3A_112 = arith.cmpi ne, %convert_element_type3A_110, %cond3A_111 : i32
    scf.if %cond3A_112 {
      "tpu.region"() ({
        %run_scoped3A = tpu.sem_alloc : memref<!tpu.dma_semaphore, #tpu.memory_space<semaphore_mem>>
        %dma_start3A_118 = arith.constant 0 : i32
        %dma_start3A_119 = tpu.memref_slice %arg4[%arg1, %dma_start3A_118] : memref<16x100000xf32, #tpu.memory_space<hbm>> -> memref<1x100000xf32, #tpu.memory_space<hbm>>
        %dma_start3A_120 = tpu.memref_squeeze %dma_start3A_119 : memref<1x100000xf32, #tpu.memory_space<hbm>> -> memref<100000xf32, #tpu.memory_space<hbm>>
        %dma_start3A_121 = arith.constant 0 : i32
        %dma_start3A_122 = tpu.memref_slice %arg4[%arg1, %dma_start3A_121] : memref<16x100000xf32, #tpu.memory_space<hbm>> -> memref<1x100000xf32, #tpu.memory_space<hbm>>
        %dma_start3A_123 = tpu.memref_squeeze %dma_start3A_122 : memref<1x100000xf32, #tpu.memory_space<hbm>> -> memref<100000xf32, #tpu.memory_space<hbm>>
        tpu.enqueue_dma source(%arg14 : memref<100000xf32, #tpu.memory_space<vmem>>) target(%dma_start3A_123 : memref<100000xf32, #tpu.memory_space<hbm>>) target_semaphore(%run_scoped3A : memref<!tpu.dma_semaphore, #tpu.memory_space<semaphore_mem>>)
        %dma_wait3A = arith.constant 0 : i32
        %dma_wait3A_124 = tpu.memref_slice %arg4[%arg1, %dma_wait3A] : memref<16x100000xf32, #tpu.memory_space<hbm>> -> memref<1x100000xf32, #tpu.memory_space<hbm>>
        %dma_wait3A_125 = tpu.memref_squeeze %dma_wait3A_124 : memref<1x100000xf32, #tpu.memory_space<hbm>> -> memref<100000xf32, #tpu.memory_space<hbm>>
        %dma_wait3A_126 = arith.constant 0 : i32
        %dma_wait3A_127 = tpu.memref_slice %arg4[%arg1, %dma_wait3A_126] : memref<16x100000xf32, #tpu.memory_space<hbm>> -> memref<1x100000xf32, #tpu.memory_space<hbm>>
        %dma_wait3A_128 = tpu.memref_squeeze %dma_wait3A_127 : memref<1x100000xf32, #tpu.memory_space<hbm>> -> memref<100000xf32, #tpu.memory_space<hbm>>
        tpu.wait_dma2 semaphore(%run_scoped3A : memref<!tpu.dma_semaphore, #tpu.memory_space<semaphore_mem>>) src(%arg14 : memref<100000xf32, #tpu.memory_space<vmem>>) dst(%dma_wait3A_128 : memref<100000xf32, #tpu.memory_space<hbm>>)
        tpu.yield
      }) : () -> ()
    } else {
    }
    %eq3A_113 = arith.constant 1 : i32
    %eq3A_114 = arith.cmpi eq, %arg0, %eq3A_113 : i32
    %convert_element_type3A_115 = arith.extui %eq3A_114 : i1 to i32
    %cond3A_116 = arith.constant 0 : i32
    %cond3A_117 = arith.cmpi ne, %convert_element_type3A_115, %cond3A_116 : i32
    scf.if %cond3A_117 {
      "tpu.region"() ({
        %run_scoped3A = tpu.sem_alloc : memref<!tpu.dma_semaphore, #tpu.memory_space<semaphore_mem>>
        %dma_start3A_118 = arith.constant 0 : i32
        %dma_start3A_119 = tpu.memref_slice %arg5[%arg1, %dma_start3A_118] : memref<16x100000xf32, #tpu.memory_space<hbm>> -> memref<1x100000xf32, #tpu.memory_space<hbm>>
        %dma_start3A_120 = tpu.memref_squeeze %dma_start3A_119 : memref<1x100000xf32, #tpu.memory_space<hbm>> -> memref<100000xf32, #tpu.memory_space<hbm>>
        %dma_start3A_121 = arith.constant 0 : i32
        %dma_start3A_122 = tpu.memref_slice %arg5[%arg1, %dma_start3A_121] : memref<16x100000xf32, #tpu.memory_space<hbm>> -> memref<1x100000xf32, #tpu.memory_space<hbm>>
        %dma_start3A_123 = tpu.memref_squeeze %dma_start3A_122 : memref<1x100000xf32, #tpu.memory_space<hbm>> -> memref<100000xf32, #tpu.memory_space<hbm>>
        tpu.enqueue_dma source(%arg14 : memref<100000xf32, #tpu.memory_space<vmem>>) target(%dma_start3A_123 : memref<100000xf32, #tpu.memory_space<hbm>>) target_semaphore(%run_scoped3A : memref<!tpu.dma_semaphore, #tpu.memory_space<semaphore_mem>>)
        %dma_wait3A = arith.constant 0 : i32
        %dma_wait3A_124 = tpu.memref_slice %arg5[%arg1, %dma_wait3A] : memref<16x100000xf32, #tpu.memory_space<hbm>> -> memref<1x100000xf32, #tpu.memory_space<hbm>>
        %dma_wait3A_125 = tpu.memref_squeeze %dma_wait3A_124 : memref<1x100000xf32, #tpu.memory_space<hbm>> -> memref<100000xf32, #tpu.memory_space<hbm>>
        %dma_wait3A_126 = arith.constant 0 : i32
        %dma_wait3A_127 = tpu.memref_slice %arg5[%arg1, %dma_wait3A_126] : memref<16x100000xf32, #tpu.memory_space<hbm>> -> memref<1x100000xf32, #tpu.memory_space<hbm>>
        %dma_wait3A_128 = tpu.memref_squeeze %dma_wait3A_127 : memref<1x100000xf32, #tpu.memory_space<hbm>> -> memref<100000xf32, #tpu.memory_space<hbm>>
        tpu.wait_dma2 semaphore(%run_scoped3A : memref<!tpu.dma_semaphore, #tpu.memory_space<semaphore_mem>>) src(%arg14 : memref<100000xf32, #tpu.memory_space<vmem>>) dst(%dma_wait3A_128 : memref<100000xf32, #tpu.memory_space<hbm>>)
        tpu.yield
      }) : () -> ()
    } else {
    }
    return
  }
}

module attributes {stable_mosaic.version = 14 : i64} {
  func.func @_mm_body(%arg0: i32, %arg1: memref<16x2048xf32, #tpu.memory_space<vmem>>, %arg2: memref<16x2048xf32, #tpu.memory_space<vmem>>, %arg3: memref<2048x128xf32, #tpu.memory_space<vmem>>, %arg4: memref<1x32xf32, #tpu.memory_space<vmem>>, %arg5: memref<192x128xf32, #tpu.memory_space<vmem>>, %arg6: memref<1x128xf32, #tpu.memory_space<vmem>>, %arg7: memref<2048x128xf32, #tpu.memory_space<vmem>>) attributes {dimension_semantics = [#tpu.dimension_semantics<arbitrary>], iteration_bounds = array<i64: 49>, scalar_prefetch = 0 : i64, scratch_operands = 0 : i64, tpu.core_type = #tpu.core_type<tc>, window_params = [{transform_indices = @transform_0, window_bounds = array<i64: 16, 2048>}, {transform_indices = @transform_1, window_bounds = array<i64: 16, 2048>}, {transform_indices = @transform_2, window_bounds = array<i64: 2048, 128>}, {pipeline_mode = #tpu.pipeline_mode<synchronous>, transform_indices = @transform_3, window_bounds = array<i64: 1, 32>}, {pipeline_mode = #tpu.pipeline_mode<synchronous>, transform_indices = @transform_4, window_bounds = array<i64: 192, 128>}, {pipeline_mode = #tpu.pipeline_mode<synchronous>, transform_indices = @transform_5, window_bounds = array<i64: 1, 128>}, {transform_indices = @transform_6, window_bounds = array<i64: 2048, 128>}]} {
    %get3A = arith.constant 0 : index
    %get3A_0 = arith.constant 0 : index
    %get3A_1 = vector.load %arg3[%get3A, %get3A_0] : memref<2048x128xf32, #tpu.memory_space<vmem>>, vector<2048x128xf32>
    %get3A_2 = arith.constant 32 : index
    %get3A_3 = arith.constant 0 : index
    %get3A_4 = vector.load %arg5[%get3A_2, %get3A_3] : memref<192x128xf32, #tpu.memory_space<vmem>>, vector<128x128xf32>
    %dot_general3A = arith.constant dense<0.000000e+00> : vector<2048x128xf32>
    %dot_general3A_5 = tpu.matmul %get3A_1, %get3A_4, %dot_general3A {dimension_numbers = #tpu.dot_dimension_numbers<[1], [0], [0], [1], [0, 0, 1, 1], [], []>, transpose_lhs_hint = false} : vector<2048x128xf32>, vector<128x128xf32>, vector<2048x128xf32> -> vector<2048x128xf32>
    %get3A_6 = arith.constant 0 : index
    %get3A_7 = arith.constant 0 : index
    %get3A_8 = vector.load %arg1[%get3A_6, %get3A_7] : memref<16x2048xf32, #tpu.memory_space<vmem>>, vector<16x2048xf32>
    %get3A_9 = arith.constant 0 : index
    %get3A_10 = arith.constant 0 : index
    %get3A_11 = vector.load %arg5[%get3A_9, %get3A_10] : memref<192x128xf32, #tpu.memory_space<vmem>>, vector<16x128xf32>
    %dot_general3A_12 = arith.constant dense<0.000000e+00> : vector<2048x128xf32>
    %dot_general3A_13 = tpu.matmul %get3A_8, %get3A_11, %dot_general3A_12 {dimension_numbers = #tpu.dot_dimension_numbers<[0], [0], [1], [1], [0, 1, 1, 1], [], []>, transpose_lhs_hint = false} : vector<16x2048xf32>, vector<16x128xf32>, vector<2048x128xf32> -> vector<2048x128xf32>
    %add3A = arith.addf %dot_general3A_5, %dot_general3A_13 : vector<2048x128xf32>
    %get3A_14 = arith.constant 0 : index
    %get3A_15 = arith.constant 0 : index
    %get3A_16 = vector.load %arg2[%get3A_14, %get3A_15] : memref<16x2048xf32, #tpu.memory_space<vmem>>, vector<16x2048xf32>
    %get3A_17 = arith.constant 16 : index
    %get3A_18 = arith.constant 0 : index
    %get3A_19 = vector.load %arg5[%get3A_17, %get3A_18] : memref<192x128xf32, #tpu.memory_space<vmem>>, vector<16x128xf32>
    %dot_general3A_20 = arith.constant dense<0.000000e+00> : vector<2048x128xf32>
    %dot_general3A_21 = tpu.matmul %get3A_16, %get3A_19, %dot_general3A_20 {dimension_numbers = #tpu.dot_dimension_numbers<[0], [0], [1], [1], [0, 1, 1, 1], [], []>, transpose_lhs_hint = false} : vector<16x2048xf32>, vector<16x128xf32>, vector<2048x128xf32> -> vector<2048x128xf32>
    %add3A_22 = arith.addf %add3A, %dot_general3A_21 : vector<2048x128xf32>
    %get3A_23 = arith.constant 0 : index
    %get3A_24 = arith.constant 0 : index
    %get3A_25 = vector.load %arg4[%get3A_23, %get3A_24] : memref<1x32xf32, #tpu.memory_space<vmem>>, vector<1x32xf32>
    %get3A_26 = arith.constant 160 : index
    %get3A_27 = arith.constant 0 : index
    %get3A_28 = vector.load %arg5[%get3A_26, %get3A_27] : memref<192x128xf32, #tpu.memory_space<vmem>>, vector<32x128xf32>
    %dot_general3A_29 = arith.constant dense<0.000000e+00> : vector<1x128xf32>
    %dot_general3A_30 = tpu.matmul %get3A_25, %get3A_28, %dot_general3A_29 {dimension_numbers = #tpu.dot_dimension_numbers<[1], [0], [0], [1], [0, 0, 1, 1], [], []>, transpose_lhs_hint = false} : vector<1x32xf32>, vector<32x128xf32>, vector<1x128xf32> -> vector<1x128xf32>
    %add3A_31 = vector.broadcast %dot_general3A_30 : vector<1x128xf32> to vector<2048x128xf32>
    %add3A_32 = arith.addf %add3A_22, %add3A_31 : vector<2048x128xf32>
    %get3A_33 = arith.constant 0 : index
    %get3A_34 = arith.constant 0 : index
    %get3A_35 = vector.load %arg6[%get3A_33, %get3A_34] : memref<1x128xf32, #tpu.memory_space<vmem>>, vector<1x128xf32>
    %add3A_36 = vector.broadcast %get3A_35 : vector<1x128xf32> to vector<2048x128xf32>
    %add3A_37 = arith.addf %add3A_32, %add3A_36 : vector<2048x128xf32>
    %swap3A = arith.constant 0 : index
    %swap3A_38 = arith.constant 0 : index
    %swap3A_39 = vector.load %arg7[%swap3A, %swap3A_38] : memref<2048x128xf32, #tpu.memory_space<vmem>>, vector<2048x128xf32>
    tpu.vector_store %arg7[%swap3A, %swap3A_38], %add3A_37 {strides = array<i32>} : memref<2048x128xf32, #tpu.memory_space<vmem>>, vector<2048x128xf32>,
    return
  }
  func.func @transform_0(%arg0: i32) -> (i32, i32) {
    %c0_i32 = arith.constant 0 : i32
    %c0_i32_0 = arith.constant 0 : i32
    return %c0_i32, %arg0 : i32, i32
  }
  func.func @transform_1(%arg0: i32) -> (i32, i32) {
    %c0_i32 = arith.constant 0 : i32
    %c0_i32_0 = arith.constant 0 : i32
    return %c0_i32, %arg0 : i32, i32
  }
  func.func @transform_2(%arg0: i32) -> (i32, i32) {
    %c0_i32 = arith.constant 0 : i32
    %c0_i32_0 = arith.constant 0 : i32
    return %arg0, %c0_i32 : i32, i32
  }
  func.func @transform_3(%arg0: i32) -> (i32, i32) {
    %c0_i32 = arith.constant 0 : i32
    %c0_i32_0 = arith.constant 0 : i32
    %c0_i32_1 = arith.constant 0 : i32
    return %c0_i32, %c0_i32_0 : i32, i32
  }
  func.func @transform_4(%arg0: i32) -> (i32, i32) {
    %c0_i32 = arith.constant 0 : i32
    %c0_i32_0 = arith.constant 0 : i32
    %c0_i32_1 = arith.constant 0 : i32
    return %c0_i32, %c0_i32_0 : i32, i32
  }
  func.func @transform_5(%arg0: i32) -> (i32, i32) {
    %c0_i32 = arith.constant 0 : i32
    %c0_i32_0 = arith.constant 0 : i32
    %c0_i32_1 = arith.constant 0 : i32
    return %c0_i32, %c0_i32_0 : i32, i32
  }
  func.func @transform_6(%arg0: i32) -> (i32, i32) {
    %c0_i32 = arith.constant 0 : i32
    %c0_i32_0 = arith.constant 0 : i32
    return %arg0, %c0_i32 : i32, i32
  }
}

</mosaic_0001>

<sc_bundles>
// kernel: kernel.4.cloned.1.call-start
scs
__scs_entry_jumppad:
0x0: {  	(pc) =	sbr.rel $0x88, $3  }
0x1: {  	(tag) =	ssettag $0x0;
	lr =	simm.s32 $0x1  }
0x2: {  	[smem:$0x3F9B] =	sst lr;
	_ =	strace $0xD0000000  }
0x3: {  	_ = 	snop  }
0x4: {  	_ = 	snop  }
0x5: {  	_ = 	snop  }
0x6: {  	_ = 	snop  }
0x7: {  	_ = 	snop  }
__scs_overlays_trampoline_lowered:
0x8: {  	[smem:$0x3FAA] =	sst s0  }
0x9: {  	[smem:$0x3FAB] =	sst s1  }
0xa: {  	[smem:$0x3FAC] =	sst s2  }
0xb: {  	[smem:$0x3FAD] =	sst s3  }
0xc: {  	[smem:$0x3FAE] =	sst s4  }
0xd: {  	[smem:$0x3FAF] =	sst s5  }
0xe: {  	[smem:$0x3FB0] =	sst s6  }
0xf: {  	[smem:$0x3FB1] =	sst s7  }
0x10: {  	[smem:$0x3FB2] =	sst s8  }
0x11: {  	[smem:$0x3FB3] =	sst s9;
	s0 =	simm.s32 @!p0 $0x0  }
0x12: {  	s1 =	sld [smem:$0x3F99];
	s0 =	simm.s32 @p0 $0x1  }
0x13: {  	[smem:$0x3FB4] =	sst s0;
	s0 =	simm.s32 @!p1 $0x0  }
0x14: {  	s2 =	sld [smem:$0x3F98];
	s0 =	simm.s32 @p1 $0x1  }
0x15: {  	[smem:$0x3FB5] =	sst s0;
	s0 =	simm.s32 @!p2 $0x0  }
0x16: {  	s3 =	sld [smem:$0x3FDB];
	s0 =	simm.s32 @p2 $0x1  }
0x17: {  	s4 =	simm.s32 $0x1BF5;
	[smem:$0x3FB7] =	sst s0  }
0x18: {  	s0 =	sld [smem:$0x3F9A];
	_ =	swait.ge [sflag:s4], $0x0  }
0x19: {  	s7 =	sld [smem:$0x3F9B]  }
0x1a: {  	s8 =	sadd.s32 $0xFFFFE003, lr  }
0x1b: {  	s9 =	sadd.s32 $0xFFFFFEF7, lr;
	s5 =	simm.s32 $0xFFFFFFFF;
	p2 =	slt.u32 s8, $0xFFFFF086  }
0x1c: {  	p1 =	slt.u32 s9, $0xF7A;
	s5 =	simm.s32 @!p2 $0x0  }
0x1d: {  	s5 =	simm.s32 @p1 $0x1;
	p0 =	seq.s32 s7, s2  }
0x1e: {  	s7 =	smul.u32 @!p0 $0xF7A, s2;
	p2 =	seq.s32 @!p0 s5, $0x0  }
0x1f: {  	s9 =	smul.u32 $0xF7A, s1;
	s8 =	simm.s32 @!p0 $0x1BF5;
	p2 =	por !p2, p0  }
0x20: {  	[sflag:s8] =	ssyncset.s32 @!p0 $0xFFFFF086;
	s6 =	sadd.s32 @!p0 s3, s7;
	s7 =	simm.s32 @!p0 $0x108  }
0x21: {  	s3 =	sadd.s32 s3, s9;
	s6 =	sadd.s32 @!p0 $0x88, s6;
	s7 =	simm.s32 @p2 $0x1082  }
0x22: {  	[simem:s7], [sflag:s8] =	dma.local @!p0 [hbm:s6], $0xF7A  }
0x23: {  	s9 =	sor.u32 $0xD0000000, s2;
	s6 =	simm.s32 $0x108;
	_ =	swait.ge @!p0 [sflag:s8], $0x0  }
0x24: {  	s3 =	sadd.s32 $0x88, s3;
	s6 =	simm.s32 @!p1 $0x1082;
	[sflag:s4] =	ssyncset.s32 $0xFFFFF086  }
0x25: {  	[simem:s6], [sflag:s4] =	dma.local [hbm:s3], $0xF7A  }
0x26: {  	[smem:$0x3F9B] =	sst s1;
	(tag) =	ssettag s2;
	_ =	strace s9  }
0x27: {  	s1 =	sld [smem:$0x3FAB]  }
0x28: {  	s2 =	sld [smem:$0x3FAC]  }
0x29: {  	s4 =	sld [smem:$0x3FAE]  }
0x2a: {  	p0 =	seq.s32 s5, $0x0;
	s5 =	sld [smem:$0x3FAF]  }
0x2b: {  	s6 =	sld [smem:$0x3FB0]  }
0x2c: {  	s7 =	sld [smem:$0x3FB1]  }
0x2d: {  	s3 =	simm.s32 $0x108;
	s8 =	sld [smem:$0x3FB2]  }
0x2e: {  	s3 =	simm.s32 @!p0 $0x1082;
	s9 =	sld [smem:$0x3FB3]  }
0x2f: {  	lr =	sadd.s32 s0, s3;
	s0 =	sld [smem:$0x3FAA]  }
0x30: {  	s3 =	sld [smem:$0x3FAD]  }
0x31: {  	[smem:$0x3FB6] =	sst s10  }
0x32: {  	s10 =	sld [smem:$0x3FB4];
	_ =	sdelay $0x3  }
0x33: {  	p0 =	seq.s32 s10, $0x1;
	s10 =	sld [smem:$0x3FB6];
	_ =	sdelay $0x3  }
0x34: {  	[smem:$0x3FB6] =	sst s10  }
0x35: {  	s10 =	sld [smem:$0x3FB5];
	_ =	sdelay $0x3  }
0x36: {  	p1 =	seq.s32 s10, $0x1;
	s10 =	sld [smem:$0x3FB6];
	_ =	sdelay $0x3  }
0x37: {  	[smem:$0x3FB6] =	sst s10  }
0x38: {  	s10 =	sld [smem:$0x3FB7]  }
0x39: {  	_ = 	snop;
	(pc) =	sbr.ind lr, $3  }
0x3a: {  	_ = 	snop  }
0x3b: {  	_ = 	snop  }
0x3c: {  	p2 =	seq.s32 s10, $0x1;
	s10 =	sld [smem:$0x3FB6]  }
0x3d: {  	_ =	shalt  }
0x3e: {  	_ =	shalt  }
0x3f: {  	_ =	shalt  }
0x40: {  	_ =	shalt  }
0x41: {  	_ =	shalt  }
0x42: {  	_ =	shalt  }
0x43: {  	_ =	shalt  }
0x44: {  	_ =	shalt  }
0x45: {  	_ =	shalt  }
0x46: {  	_ =	shalt  }
0x47: {  	_ =	shalt  }
0x48: {  	_ =	shalt  }
0x49: {  	_ =	shalt  }
0x4a: {  	_ =	shalt  }
0x4b: {  	_ =	shalt  }
0x4c: {  	_ =	shalt  }
0x4d: {  	_ =	shalt  }
0x4e: {  	_ =	shalt  }
0x4f: {  	_ =	shalt  }
0x50: {  	_ =	shalt  }
0x51: {  	_ =	shalt  }
0x52: {  	_ =	shalt  }
0x53: {  	_ =	shalt  }
0x54: {  	_ =	shalt  }
0x55: {  	_ =	shalt  }
0x56: {  	_ =	shalt  }
0x57: {  	_ =	shalt  }
0x58: {  	_ =	shalt  }
0x59: {  	_ =	shalt  }
0x5a: {  	_ =	shalt  }
0x5b: {  	_ =	shalt  }
0x5c: {  	_ =	shalt  }
0x5d: {  	_ =	shalt  }
0x5e: {  	_ =	shalt  }
0x5f: {  	_ =	shalt  }
0x60: {  	_ =	shalt  }
0x61: {  	_ =	shalt  }
0x62: {  	_ =	shalt  }
0x63: {  	_ =	shalt  }
0x64: {  	_ =	shalt  }
0x65: {  	_ =	shalt  }
0x66: {  	_ =	shalt  }
0x67: {  	_ =	shalt  }
0x68: {  	_ =	shalt  }
0x69: {  	_ =	shalt  }
0x6a: {  	_ =	shalt  }
0x6b: {  	_ =	shalt  }
0x6c: {  	_ =	shalt  }
0x6d: {  	_ =	shalt  }
0x6e: {  	_ =	shalt  }
0x6f: {  	_ =	shalt  }
0x70: {  	_ =	shalt  }
0x71: {  	_ =	shalt  }
0x72: {  	_ =	shalt  }
0x73: {  	_ =	shalt  }
0x74: {  	_ =	shalt  }
0x75: {  	_ =	shalt  }
0x76: {  	_ =	shalt  }
0x77: {  	_ =	shalt  }
0x78: {  	_ =	shalt  }
0x79: {  	_ =	shalt  }
0x7a: {  	_ =	shalt  }
0x7b: {  	_ =	shalt  }
0x7c: {  	_ =	shalt  }
0x7d: {  	_ =	shalt  }
0x7e: {  	_ =	shalt  }
0x7f: {  	_ =	shalt  }
0x80: {  	_ =	shalt  }
0x81: {  	_ =	shalt  }
0x82: {  	_ =	shalt  }
0x83: {  	_ =	shalt  }
0x84: {  	_ =	shalt  }
0x85: {  	_ =	shalt  }
0x86: {  	_ =	shalt  }
0x87: {  	_ =	shalt  }
.Lfunc_end0:
.L_simem_size_0:
called_computation_lowered:
.L_overlay_start_0:
0x88: {  	s2 =	sld [smem:$0x3FD9]  }
0x89: {  	s3 =	sld [smem:$0x3FFE];
	_ =	sdelay $0x1  }
0x8a: {  	s1 =	srdreg.scid  }
0x8b: {  	s0 =	sand.u32 $0x1, s1  }
0x8c: {  	s17 =	sshll.u32 s0, $0xA;
	s2 =	sadd.s32 s3, s2  }
0x8d: {  	s2 =	sadd.s32 s2, s17  }
0x8e: {  	[smem:$0x3FC2] =	sst s2  }
0x8f: {  	_ = 	snop  }
0x90: {  	s2 =	sld [smem:$0x3FC8]  }
0x91: {  	s18 =	sld [smem:$0x3FC6]  }
0x92: {  	s4 =	sld [smem:$0x3FD0];
	(tm) =	ssettm $0x1  }
0x93: {  	s5 =	sld [smem:$0x3FFB];
	_ =	sdelay $0x3  }
0x94: {  	_ =	strace s5  }
0x95: {  	s5 =	sld [smem:$0x3FFC];
	_ =	sdelay $0x3  }
0x96: {  	_ =	strace s5  }
0x97: {  	s5 =	sld [smem:$0x3FFD];
	_ =	sdelay $0x3  }
0x98: {  	_ =	strace s5  }
0x99: {  	_ =	strace $0x8FFFFFFF  }
0x9a: {  	s19 =	sld [smem:$0x3FDB];
	_ =	sdelay $0x1  }
0x9b: {  	s6 =	simm.s32 $_scs_section_size  }
0x9c: {  	s7 =	simm.s32 $_size__tile_overlayer_lowered;
	s8 =	simm.s32 $_tile_overlayer_lowered  }
0x9d: {  	s22 =	simm.s32 $0x1BFF;
	s21 =	sshll.u32 s8, $0x1;
	s5 =	sadd.s32 s6, s19  }
0x9e: {  	s9 =	simm.s32 $0x0;
	s20 =	sshll.u32 s7, $0x1;
	s7 =	sadd.s32 s21, s5  }
0x9f: {  	[timem:s9], [sflag:s22] =	dma.local [hbm:s7], s20  }
0xa0: {  	_ =	swait.ge [sflag:s22], s20  }
0xa1: {  	s6 =	ssub.s32 $0x0, s20;
	[sflag:s22] =	ssyncset.done $0x0  }
0xa2: {  	[sflag:s22] =	ssyncadd.s32 s6;
	_ =	sdelay $0x1  }
0xa3: {  	s23 =	simm.s32 $0x1B8B  }
0xa4: {  	_ =	swait.ge [sflag:s23], $0x1  }
0xa5: {  	[sflag:s23] =	ssyncset.done $0x0  }
0xa6: {  	s25 =	simm.s32 $0x1B8E;
	s24 =	sld [smem:$0x3FFE];
	[sflag:s23] =	ssyncadd.s32 $0xFFFFFFFF  }
0xa7: {  	s26 =	simm.s32 $execute0_lowered;
	[smem:$0x3FD2] =	sst s25  }
0xa8: {  	s7 =	sshll.u32 s26, $0x1;
	_ =	strace $0x80000046;
	[dreg:$0x1] =	wrdreg $0xFFFFFFFF  }
0xa9: {  	s28 =	simm.s32 $_size_execute0_lowered;
	s5 =	sadd.s32 s5, s7;
	[dreg:$0x0] =	wrdreg $0x0  }
0xaa: {  	s7 =	sshll.u32 s28, $0x1;
	[dreg:$0x2] =	wrdreg s5  }
0xab: {  	[dreg:$0x3] =	wrdreg s7  }
0xac: {  	[dreg:$0x4] =	wrdreg $0xC0  }
0xad: {  	_ =	task [dreg:s9], $0x5FFFF  }
0xae: {  	[dreg:$0x1] =	wrdreg $0xFFFFFFFF  }
0xaf: {  	[dreg:$0x0] =	wrdreg $0x60  }
0xb0: {  	[dreg:$0x2] =	wrdreg s18  }
0xb1: {  	[dreg:$0x3] =	wrdreg s2  }
0xb2: {  	[dreg:$0x4] =	wrdreg s4  }
0xb3: {  	[dreg:$0x5] =	wrdreg s24  }
0xb4: {  	[dreg:$0x6] =	wrdreg $0x9  }
0xb5: {  	_ =	task.clear_ibuf [dreg:s9], $0x7FFFF;
	_ =	strace $0x90000046  }
0xb6: {  	s29 =	simm.s32 $0x9;
	_ =	strace $0x80000048  }
0xb7: {  	_ =	swait.ge [sflag:s29], $0x1  }
0xb8: {  	[sflag:s29] =	ssyncadd.s32 $0xFFFFFFFF  }
0xb9: {  	_ =	strace $0x90000048  }
0xba: {  	_ =	sfence  }
0xbb: {  	s30 =	sld [smem:$0x0];
	_ =	sdelay $0x2  }
0xbc: {  	s31 =	sshll.u32 s1, $0xD;
	s1 =	sshrl.u32 s1, $0x2  }
0xbd: {  	s3 =	sand.u32 $0x4000, s31;
	s1 =	sadd.s32 s1, s30  }
0xbe: {  	s0 =	sor.u32 s3, s0;
	s1 =	sshll.u32 s1, $0x11  }
0xbf: {  	s0 =	sor.u32 s1, s0  }
0xc0: {  	s0 =	sadd.s32 $0x8F2B, s0  }
0xc1: {  	[sflag:s0] =	ssyncadd.remote.s32 $0x1  }
0xc2: {  	_ =	sfence.sel $0xFFFF  }
0xc3: {  	[dreg:$0x0] =	wrdreg $0xFFFFFFFF;
	(pc) =	sbr.abs _section_cstart, $3  }
0xc4: {  	[dreg:$0x1] =	wrdreg $0xFFFFFFFF  }
0xc5: {  	_ =	task.clear_ibuf [dreg:s9], $0x2FFFF;
	_ =	strace $0x9FFFFFFF  }
0xc6: {  	(tm) =	ssettm $0x7FFFFFFF  }
0xc7: {  	_ =	shalt  }
tec
execute0_lowered:
.L_overlay_start_1:
0x0: {  	(tag) =	ssettag $0x1  }
0x1: {  	s2 =	rddreg [dreg:$0x0]  }
0x2: {  	s3 =	rddreg [dreg:$0x1]  }
0x3: {  	s0 =	rddreg [dreg:$0x2]  }
0x4: {  	s1 =	rddreg [dreg:$0x3]  }
0x5: {  	s11 =	stileid.u32;
	s5 =	srdreg.scid  }
0x6: {  	s15 =	simm.s32 $0x100;
	s16 =	simm.s32 $0x400;
	s22 =	simm.s32 $0x2580  }
0x7: {  	s23 =	simm.s32 $0x5780;
	s24 =	simm.s32 $0x1;
	s25 =	simm.s32 $0x2  }
0x8: {  	s28 =	simm.s32 $0x3;
	s29 =	simm.s32 $0x0;
	s4 =	sshrl.u32 s11, $0x3  }
0x9: {  	s7 =	sshll.u32 s11, $0x7;
	s12 =	sand.u32 $0x1, s5;
	s14 =	smul.u32 $0x30D4, s11  }
0xa: {  	s1 =	sadd.s32 $0xE00, s1;
	s11 =	smov.u32 s2;
	s6 =	smul.u32 $0x186A000, s4  }
0xb: {  	s4 =	simm.s32 $0x0;
	s26 =	sand.u32 $0x380, s7;
	s30 =	ssub.s32 $0x2, s12  }
0xc: {  	p0 =	seq.s32 s12, $0x0;
	s7 =	sadd.s32 $0x10, s2;
	[smem:$0x7FF] =	sst s4  }
0xd: {  	s31 =	sshrl.u32 s30, $0x1;
	s11 =	smov.u32 @p0 s7;
	s1 =	smov.u32 @p0 s0  }
.Ltmp0:
0xe: {  	p0 =	sne.s32 s12, $0x0;
	s5 =	sor.u32 s26, s6;
	(pc) =	sbr.rel .LBB2_1-.Ltmp0, $4  }
0xf: {  	_ =	strace $0x80000047;
	s13 =	ssub.s32 s30, s31;
	s7 =	smov.u32 @p0 s2  }
0x10: {  	s26 =	simm.s32 $0x6400;
	s8 =	sshrl.u32 s5, $0x3;
	s12 =	smax.u32 s13, $0x1  }
0x11: {  	s13 =	sadd.s32 s1, s14;
	s14 =	simm.s32 $0x80;
	s6 =	sadd.s32 s3, s8  }
0x12: {  	v0 =	vimm.f32 $0.0e+00;
	s8 =	sadd.s32 $0xC80, s6;
	s9 =	sadd.s32 $0x1900, s6;
	s10 =	sadd.s32 $0x2580, s6  }
.LBB2_14:
0x13: {  	s29 =	sadd.s32 $0x1, s29  }
0x14: {  	p1 =	sne.s32 s29, s12  }
.Ltmp1:
0x15: {  	_ = 	snop;
	(pc) =	sbr.rel @!p1 .LBB2_15-.Ltmp1, $4  }
0x16: {  	[hbm4b:s13+s4] =	stream.linear.scatter [tilespmem:s26], [sflag:$0x3], $0x186A0, $0x38;
	[tilespmem:$0x1EAA0] =	vst v63  }
0x17: {  	_ =	swait.ge [sflag:s28], $0x186A0  }
0x18: {  	[sflag:s28] =	ssyncset.done $0x0  }
0x19: {  	[sflag:s28] =	ssyncadd.s32 $0xFFFE7960  }
.LBB2_1:
0x1a: {  	s0 =	simm.s32 $0x40;
	s1 =	simm.s32 $0x0  }
.LBB2_2:
0x1b: {  	p1 =	sne.s32 s0, $0x61A40;
	[tilespmem:s1+$0x6400] =	vst v0;
	s1 =	smov.u32 s0;
	s0 =	sadd.s32 $0x40, s0  }
.Ltmp2:
0x1c: {  	(pc) =	sbr.rel @p1 .LBB2_2-.Ltmp2, $2  }
0x1d: {  	_ =	sdelay $0x2  }
0x1e: {  	s1 =	sshra.s32 s1, $0x2  }
0x1f: {  	[tilespmem:s1+$0x6400] =	vst v0;
	s0 =	simm.s32 @!p0 $0x330;
	s30 =	simm.s32 $0x0  }
0x20: {  	[tilespmem:s30], [sflag:$0x1] =	stream.strided.gather [hbm4b:s7+s14], $0xC80, s15, s14, $0x38;
	[tilespmem:$0x1EAA0] =	vst v63  }
0x21: {  	s19 =	simm.s32 $0x3200;
	s0 =	simm.s32 @p0 $0x320  }
0x22: {  	[tilespmem:s19], [sflag:$0x2] =	stream.strided.gather [hbm4b:s6+s14], $0xC80, s16, s14, $0x38;
	[tilespmem:$0x1EAA0] =	vst v63  }
0x23: {  	s1 =	simm.s32 @!p0 $0x650;
	s17 =	simm.s32 $0xC80;
	s0 =	sadd.s32 s0, s2  }
0x24: {  	[tilespmem:s17], [sflag:$0x1] =	stream.strided.gather [hbm4b:s0+s14], $0xC80, s15, s14, $0x38;
	[tilespmem:$0x1EAA0] =	vst v63  }
0x25: {  	s20 =	simm.s32 $0x3E80;
	s1 =	simm.s32 @p0 $0x640  }
0x26: {  	[tilespmem:s20], [sflag:$0x2] =	stream.strided.gather [hbm4b:s8+s14], $0xC80, s16, s14, $0x38;
	[tilespmem:$0x1EAA0] =	vst v63  }
0x27: {  	s21 =	simm.s32 $0x1900;
	s1 =	sadd.s32 s1, s2;
	s0 =	simm.s32 @!p0 $0x970  }
0x28: {  	[tilespmem:s21], [sflag:$0x1] =	stream.strided.gather [hbm4b:s1+s14], $0xC80, s15, s14, $0x38;
	[tilespmem:$0x1EAA0] =	vst v63  }
0x29: {  	s31 =	simm.s32 $0x4B00;
	s0 =	simm.s32 @p0 $0x960  }
0x2a: {  	[tilespmem:s31], [sflag:$0x2] =	stream.strided.gather [hbm4b:s9+s14], $0xC80, s16, s14, $0x38;
	[tilespmem:$0x1EAA0] =	vst v63  }
0x2b: {  	s0 =	sadd.s32 s0, s2  }
0x2c: {  	[tilespmem:s22], [sflag:$0x1] =	stream.strided.gather [hbm4b:s0+s14], $0xC80, s15, s14, $0x38;
	[tilespmem:$0x1EAA0] =	vst v63  }
0x2d: {  	_ = 	snop  }
0x2e: {  	[tilespmem:s23], [sflag:$0x2] =	stream.strided.gather [hbm4b:s10+s14], $0xC80, s16, s14, $0x38;
	[tilespmem:$0x1EAA0] =	vst v63  }
.LBB2_4:
0x2f: {  	_ =	swait.ge [sflag:s24], $0xC80  }
0x30: {  	[sflag:s24] =	ssyncset.done $0x0  }
0x31: {  	[sflag:s24] =	ssyncadd.s32 $0xFFFFF380  }
0x32: {  	_ =	swait.ge [sflag:s25], $0xC80  }
0x33: {  	[sflag:s25] =	ssyncset.done $0x0  }
0x34: {  	s0 =	simm.s32 $0x80;
	[sflag:s25] =	ssyncadd.s32 $0xFFFFF380  }
0x35: {  	v1 =	vld [tilespmem:s0+$0x0];
	_ =	sdelay $0x1  }
0x36: {  	s31 =	simm.s32 $0x3280  }
0x37: {  	v2 =	vld [tilespmem:s31+$0x0];
	_ =	sdelay $0x3  }
0x38: {  	v3 =	vld [tilespmem:s0+$0xFFFFFF80]  }
0x39: {  	[tilespmem:v1+s26+$0x0] =	vst.idx.add.f32.msk $0xffff, v2  }
0x3a: {  	v1 =	vld [tilespmem:s0+$0x10]  }
0x3b: {  	v4 =	vld [tilespmem:s31+$0xFFFFFF80];
	_ =	sdelay $0x1  }
0x3c: {  	v2 =	vld [tilespmem:s31+$0x10];
	_ =	sdelay $0x2  }
0x3d: {  	[tilespmem:v3+s26+$0x0] =	vst.idx.add.f32.msk $0xffff, v4  }
0x3e: {  	v3 =	vld [tilespmem:s0+$0xFFFFFF90]  }
0x3f: {  	[tilespmem:v1+s26+$0x0] =	vst.idx.add.f32.msk $0xffff, v2  }
0x40: {  	v1 =	vld [tilespmem:s0+$0x20]  }
0x41: {  	v4 =	vld [tilespmem:s31+$0xFFFFFF90];
	_ =	sdelay $0x1  }
0x42: {  	v2 =	vld [tilespmem:s31+$0x20];
	_ =	sdelay $0x2  }
0x43: {  	[tilespmem:v3+s26+$0x0] =	vst.idx.add.f32.msk $0xffff, v4  }
0x44: {  	v3 =	vld [tilespmem:s0+$0xFFFFFFA0]  }
0x45: {  	[tilespmem:v1+s26+$0x0] =	vst.idx.add.f32.msk $0xffff, v2  }
0x46: {  	v1 =	vld [tilespmem:s0+$0x30]  }
0x47: {  	v4 =	vld [tilespmem:s31+$0xFFFFFFA0];
	_ =	sdelay $0x1  }
0x48: {  	v2 =	vld [tilespmem:s31+$0x30]  }
0x49: {  	s1 =	simm.s32 $0x180  }
0x4a: {  	v7 =	vld [tilespmem:s1+$0xFFFFFF80]  }
0x4b: {  	[tilespmem:v3+s26+$0x0] =	vst.idx.add.f32.msk $0xffff, v4  }
0x4c: {  	v3 =	vld [tilespmem:s0+$0xFFFFFFB0]  }
0x4d: {  	[tilespmem:v1+s26+$0x0] =	vst.idx.add.f32.msk $0xffff, v2  }
0x4e: {  	s17 =	simm.s32 $0x3380;
	v1 =	vld [tilespmem:s0+$0x40]  }
0x4f: {  	v8 =	vld [tilespmem:s17+$0xFFFFFF80]  }
0x50: {  	v4 =	vld [tilespmem:s31+$0xFFFFFFB0]  }
0x51: {  	v2 =	vld [tilespmem:s31+$0x40];
	_ =	sdelay $0x1  }
0x52: {  	v5 =	vld [tilespmem:s1+$0x0]  }
0x53: {  	[tilespmem:v7+s26+$0x0] =	vst.idx.add.f32.msk $0xffff, v8  }
0x54: {  	[tilespmem:v3+s26+$0x0] =	vst.idx.add.f32.msk $0xffff, v4  }
0x55: {  	[tilespmem:v1+s26+$0x0] =	vst.idx.add.f32.msk $0xffff, v2  }
0x56: {  	v2 =	vld [tilespmem:s17+$0x0]  }
0x57: {  	v3 =	vld [tilespmem:s0+$0xFFFFFFC0]  }
0x58: {  	v4 =	vld [tilespmem:s31+$0xFFFFFFC0]  }
0x59: {  	v1 =	vld [tilespmem:s0+$0x50]  }
0x5a: {  	v6 =	vld [tilespmem:s31+$0x50]  }
0x5b: {  	[tilespmem:v5+s26+$0x0] =	vst.idx.add.f32.msk $0xffff, v2  }
0x5c: {  	v5 =	vld [tilespmem:s1+$0xFFFFFF90]  }
0x5d: {  	v2 =	vld [tilespmem:s1+$0x10]  }
0x5e: {  	v61 =	vld [tilespmem:s17+$0xFFFFFF90]  }
0x5f: {  	[tilespmem:v3+s26+$0x0] =	vst.idx.add.f32.msk $0xffff, v4  }
0x60: {  	v3 =	vld [tilespmem:s17+$0x10]  }
0x61: {  	[tilespmem:v1+s26+$0x0] =	vst.idx.add.f32.msk $0xffff, v6  }
0x62: {  	v1 =	vld [tilespmem:s0+$0x60]  }
0x63: {  	v4 =	vld [tilespmem:s31+$0x60]  }
0x64: {  	[tilespmem:v5+s26+$0x0] =	vst.idx.add.f32.msk $0xffff, v61  }
0x65: {  	[tilespmem:v2+s26+$0x0] =	vst.idx.add.f32.msk $0xffff, v3  }
0x66: {  	v5 =	vld [tilespmem:s1+$0xFFFFFFA0]  }
0x67: {  	v6 =	vld [tilespmem:s17+$0xFFFFFFA0]  }
0x68: {  	v2 =	vld [tilespmem:s1+$0x20]  }
0x69: {  	v3 =	vld [tilespmem:s17+$0x20]  }
0x6a: {  	[tilespmem:v1+s26+$0x0] =	vst.idx.add.f32.msk $0xffff, v4  }
0x6b: {  	v1 =	vld [tilespmem:s0+$0x70];
	_ =	sdelay $0x2  }
0x6c: {  	v4 =	vld [tilespmem:s31+$0x70]  }
0x6d: {  	[tilespmem:v5+s26+$0x0] =	vst.idx.add.f32.msk $0xffff, v6  }
0x6e: {  	[tilespmem:v2+s26+$0x0] =	vst.idx.add.f32.msk $0xffff, v3  }
0x6f: {  	v2 =	vld [tilespmem:s1+$0x30]  }
0x70: {  	v3 =	vld [tilespmem:s0+$0xFFFFFFD0]  }
0x71: {  	[tilespmem:v1+s26+$0x0] =	vst.idx.add.f32.msk $0xffff, v4  }
0x72: {  	v1 =	vld [tilespmem:s17+$0x30]  }
0x73: {  	v5 =	vld [tilespmem:s1+$0xFFFFFFB0]  }
0x74: {  	v4 =	vld [tilespmem:s31+$0xFFFFFFD0];
	_ =	sdelay $0x1  }
0x75: {  	v6 =	vld [tilespmem:s17+$0xFFFFFFB0]  }
0x76: {  	[tilespmem:v2+s26+$0x0] =	vst.idx.add.f32.msk $0xffff, v1  }
0x77: {  	v62 =	vld [tilespmem:s1+$0x40]  }
0x78: {  	[tilespmem:v3+s26+$0x0] =	vst.idx.add.f32.msk $0xffff, v4  }
0x79: {  	v4 =	vld [tilespmem:s0+$0xFFFFFFE0]  }
0x7a: {  	v3 =	vld [tilespmem:s17+$0x40]  }
0x7b: {  	[tilespmem:v5+s26+$0x0] =	vst.idx.add.f32.msk $0xffff, v6  }
0x7c: {  	v63 =	vld [tilespmem:s31+$0xFFFFFFE0]  }
0x7d: {  	v1 =	vld [tilespmem:s1+$0xFFFFFFC0]  }
0x7e: {  	v2 =	vld [tilespmem:s17+$0xFFFFFFC0]  }
0x7f: {  	[tilespmem:v62+s26+$0x0] =	vst.idx.add.f32.msk $0xffff, v3  }
0x80: {  	v3 =	vld [tilespmem:s1+$0x50]  }
0x81: {  	s19 =	simm.s32 $0x2;
	s20 =	simm.s32 $0x280;
	s18 =	simm.s32 $0x3380;
	[tilespmem:v4+s26+$0x0] =	vst.idx.add.f32.msk $0xffff, v63  }
.LBB2_5:
0x82: {  	v4 =	vld [tilespmem:s20+$0x0]  }
0x83: {  	s19 =	sadd.s32 $0x2, s19;
	v5 =	vld [tilespmem:s17+$0x50]  }
0x84: {  	p1 =	slt.u32 s19, $0x16;
	s17 =	sadd.s32 $0x100, s17;
	v6 =	vld [tilespmem:s20+$0xFFFFFF80]  }
0x85: {  	v7 =	vld [tilespmem:s17+$0x0]  }
0x86: {  	v8 =	vld [tilespmem:s17+$0xFFFFFF80]  }
0x87: {  	[tilespmem:v1+s26+$0x0] =	vst.idx.add.f32.msk $0xffff, v2  }
0x88: {  	[tilespmem:v3+s26+$0x0] =	vst.idx.add.f32.msk $0xffff, v5  }
0x89: {  	v1 =	vld [tilespmem:s1+$0x60]  }
0x8a: {  	[tilespmem:v4+s26+$0x0] =	vst.idx.add.f32.msk $0xffff, v7  }
0x8b: {  	v2 =	vld [tilespmem:s20+$0x10]  }
0x8c: {  	v3 =	vld [tilespmem:s18+$0x60]  }
0x8d: {  	[tilespmem:v6+s26+$0x0] =	vst.idx.add.f32.msk $0xffff, v8  }
0x8e: {  	v4 =	vld [tilespmem:s17+$0x10]  }
0x8f: {  	v5 =	vld [tilespmem:s20+$0xFFFFFF90]  }
0x90: {  	v6 =	vld [tilespmem:s17+$0xFFFFFF90]  }
0x91: {  	[tilespmem:v1+s26+$0x0] =	vst.idx.add.f32.msk $0xffff, v3  }
0x92: {  	v1 =	vld [tilespmem:s1+$0x70]  }
0x93: {  	[tilespmem:v2+s26+$0x0] =	vst.idx.add.f32.msk $0xffff, v4  }
0x94: {  	v2 =	vld [tilespmem:s20+$0x20]  }
0x95: {  	v3 =	vld [tilespmem:s18+$0x70]  }
0x96: {  	v4 =	vld [tilespmem:s1+$0xFFFFFFD0]  }
0x97: {  	[tilespmem:v5+s26+$0x0] =	vst.idx.add.f32.msk $0xffff, v6  }
0x98: {  	v5 =	vld [tilespmem:s17+$0x20]  }
0x99: {  	v6 =	vld [tilespmem:s20+$0xFFFFFFA0]  }
0x9a: {  	[tilespmem:v1+s26+$0x0] =	vst.idx.add.f32.msk $0xffff, v3  }
0x9b: {  	v1 =	vld [tilespmem:s17+$0xFFFFFFA0]  }
0x9c: {  	v3 =	vld [tilespmem:s18+$0xFFFFFFD0]  }
0x9d: {  	[tilespmem:v2+s26+$0x0] =	vst.idx.add.f32.msk $0xffff, v5  }
0x9e: {  	v2 =	vld [tilespmem:s20+$0x30]  }
0x9f: {  	v5 =	vld [tilespmem:s0+$0xFFFFFFF0];
	s0 =	smov.u32 s1;
	s1 =	smov.u32 s20  }
0xa0: {  	v7 =	vld [tilespmem:s31+$0xFFFFFFF0];
	s31 =	smov.u32 s18;
	s18 =	smov.u32 s17  }
0xa1: {  	v8 =	vld [tilespmem:s17+$0x30]  }
0xa2: {  	[tilespmem:v6+s26+$0x0] =	vst.idx.add.f32.msk $0xffff, v1  }
0xa3: {  	v1 =	vld [tilespmem:s20+$0xFFFFFFB0]  }
0xa4: {  	v6 =	vld [tilespmem:s17+$0xFFFFFFB0]  }
0xa5: {  	[tilespmem:v4+s26+$0x0] =	vst.idx.add.f32.msk $0xffff, v3  }
0xa6: {  	[tilespmem:v2+s26+$0x0] =	vst.idx.add.f32.msk $0xffff, v8  }
0xa7: {  	v3 =	vld [tilespmem:s20+$0x40]  }
0xa8: {  	v4 =	vld [tilespmem:s0+$0xFFFFFFE0]  }
0xa9: {  	v8 =	vld [tilespmem:s31+$0xFFFFFFE0]  }
0xaa: {  	v9 =	vld [tilespmem:s17+$0x40]  }
0xab: {  	[tilespmem:v1+s26+$0x0] =	vst.idx.add.f32.msk $0xffff, v6  }
0xac: {  	v1 =	vld [tilespmem:s20+$0xFFFFFFC0]  }
.Ltmp3:
0xad: {  	v2 =	vld [tilespmem:s17+$0xFFFFFFC0];
	(pc) =	sbr.rel @p1 .LBB2_5-.Ltmp3, $4  }
0xae: {  	[tilespmem:v5+s26+$0x0] =	vst.idx.add.f32.msk $0xffff, v7  }
0xaf: {  	[tilespmem:v3+s26+$0x0] =	vst.idx.add.f32.msk $0xffff, v9  }
0xb0: {  	v3 =	vld [tilespmem:s20+$0x50]  }
0xb1: {  	s20 =	sadd.s32 $0x100, s20;
	[tilespmem:v4+s26+$0x0] =	vst.idx.add.f32.msk $0xffff, v8  }
0xb2: {  	_ =	sdelay $0x2  }
0xb3: {  	v4 =	vld [tilespmem:s17+$0x50]  }
0xb4: {  	[tilespmem:v1+s26+$0x0] =	vst.idx.add.f32.msk $0xffff, v2  }
0xb5: {  	v1 =	vld [tilespmem:s1+$0xFFFFFFD0];
	_ =	sdelay $0x2  }
0xb6: {  	v2 =	vld [tilespmem:s18+$0xFFFFFFD0];
	_ =	sdelay $0x1  }
0xb7: {  	[tilespmem:v3+s26+$0x0] =	vst.idx.add.f32.msk $0xffff, v4  }
0xb8: {  	v3 =	vld [tilespmem:s1+$0x60]  }
0xb9: {  	v4 =	vld [tilespmem:s18+$0x60]  }
0xba: {  	[tilespmem:v1+s26+$0x0] =	vst.idx.add.f32.msk $0xffff, v2  }
0xbb: {  	v1 =	vld [tilespmem:s1+$0xFFFFFFE0];
	_ =	sdelay $0x2  }
0xbc: {  	v2 =	vld [tilespmem:s18+$0xFFFFFFE0];
	_ =	sdelay $0x1  }
0xbd: {  	[tilespmem:v3+s26+$0x0] =	vst.idx.add.f32.msk $0xffff, v4  }
0xbe: {  	v4 =	vld [tilespmem:s0+$0xFFFFFFF0]  }
0xbf: {  	v3 =	vld [tilespmem:s1+$0x70]  }
0xc0: {  	[tilespmem:v1+s26+$0x0] =	vst.idx.add.f32.msk $0xffff, v2  }
0xc1: {  	v1 =	vld [tilespmem:s1+$0xFFFFFFF0]  }
0xc2: {  	v5 =	vld [tilespmem:s31+$0xFFFFFFF0]  }
0xc3: {  	v2 =	vld [tilespmem:s18+$0x70]  }
0xc4: {  	v6 =	vld [tilespmem:s18+$0xFFFFFFF0];
	_ =	sdelay $0x2  }
0xc5: {  	[tilespmem:v4+s26+$0x0] =	vst.idx.add.f32.msk $0xffff, v5  }
0xc6: {  	[tilespmem:v3+s26+$0x0] =	vst.idx.add.f32.msk $0xffff, v2  }
0xc7: {  	[tilespmem:v1+s26+$0x0] =	vst.idx.add.f32.msk $0xffff, v6  }
0xc8: {  	v1 =	vld [tilespmem:$0xC00];
	_ =	sdelay $0x2  }
0xc9: {  	v2 =	vld [tilespmem:$0x3E00];
	_ =	sdelay $0x4  }
0xca: {  	[tilespmem:v1+s26+$0x0] =	vst.idx.add.f32.msk $0xffff, v2  }
0xcb: {  	v1 =	vld [tilespmem:$0xC10];
	_ =	sdelay $0x2  }
0xcc: {  	v2 =	vld [tilespmem:$0x3E10];
	_ =	sdelay $0x4  }
0xcd: {  	[tilespmem:v1+s26+$0x0] =	vst.idx.add.f32.msk $0xffff, v2  }
0xce: {  	v1 =	vld [tilespmem:$0xC20];
	_ =	sdelay $0x2  }
0xcf: {  	v2 =	vld [tilespmem:$0x3E20];
	_ =	sdelay $0x4  }
0xd0: {  	[tilespmem:v1+s26+$0x0] =	vst.idx.add.f32.msk $0xffff, v2  }
0xd1: {  	v1 =	vld [tilespmem:$0xC30];
	_ =	sdelay $0x2  }
0xd2: {  	v2 =	vld [tilespmem:$0x3E30];
	_ =	sdelay $0x4  }
0xd3: {  	[tilespmem:v1+s26+$0x0] =	vst.idx.add.f32.msk $0xffff, v2  }
0xd4: {  	v1 =	vld [tilespmem:$0xC40];
	_ =	sdelay $0x2  }
0xd5: {  	v2 =	vld [tilespmem:$0x3E40];
	_ =	sdelay $0x4  }
0xd6: {  	[tilespmem:v1+s26+$0x0] =	vst.idx.add.f32.msk $0xffff, v2  }
0xd7: {  	v1 =	vld [tilespmem:$0xC50];
	_ =	sdelay $0x2  }
0xd8: {  	v2 =	vld [tilespmem:$0x3E50];
	_ =	sdelay $0x4  }
0xd9: {  	[tilespmem:v1+s26+$0x0] =	vst.idx.add.f32.msk $0xffff, v2  }
0xda: {  	v1 =	vld [tilespmem:$0xC60];
	_ =	sdelay $0x2  }
0xdb: {  	v2 =	vld [tilespmem:$0x3E60];
	_ =	sdelay $0x4  }
0xdc: {  	[tilespmem:v1+s26+$0x0] =	vst.idx.add.f32.msk $0xffff, v2  }
0xdd: {  	v1 =	vld [tilespmem:$0xC70];
	_ =	sdelay $0x1  }
0xde: {  	s31 =	sshll.u32 s30, $0x2;
	p1 =	seq.s32 s30, $0xF9  }
0xdf: {  	s0 =	sadd.s32 @!p1 $0x4, s31;
	v2 =	vld [tilespmem:$0x3E70]  }
0xe0: {  	s1 =	smul.u32 @!p1 $0x320, s0  }
0xe1: {  	s0 =	smul.u32 @!p1 $0x6400, s0;
	_ =	sdelay $0x1  }
0xe2: {  	s17 =	simm.s32 @!p1 $0x80;
	s19 =	simm.s32 @!p1 $0x0;
	s0 =	sadd.s32 @!p1 s5, s0  }
0xe3: {  	s18 =	simm.s32 @!p1 $0x100;
	s1 =	sadd.s32 @!p1 s1, s11;
	s0 =	sshrl.u32 @!p1 s0, $0x3;
	[tilespmem:v1+s26+$0x0] =	vst.idx.add.f32.msk $0xffff, v2  }
0xe4: {  	[tilespmem:s19], [sflag:$0x1] =	stream.strided.gather @!p1 [hbm4b:s1+s17], $0xC80, s18, s17, $0x38;
	[tilespmem:$0x1EAA0] =	vst v63  }
0xe5: {  	s0 =	sadd.s32 @!p1 s3, s0;
	s1 =	simm.s32 @!p1 $0x400;
	s18 =	simm.s32 @!p1 $0x3200  }
0xe6: {  	[tilespmem:s18], [sflag:$0x2] =	stream.strided.gather @!p1 [hbm4b:s0+s17], $0xC80, s1, s17, $0x38;
	[tilespmem:$0x1EAA0] =	vst v63  }
0xe7: {  	_ =	swait.ge [sflag:s24], $0xC80  }
0xe8: {  	[sflag:s24] =	ssyncset.done $0x0  }
0xe9: {  	[sflag:s24] =	ssyncadd.s32 $0xFFFFF380  }
0xea: {  	_ =	swait.ge [sflag:s25], $0xC80  }
0xeb: {  	[sflag:s25] =	ssyncset.done $0x0  }
0xec: {  	s1 =	simm.s32 $0xD00;
	[sflag:s25] =	ssyncadd.s32 $0xFFFFF380  }
0xed: {  	v1 =	vld [tilespmem:s1+$0x0];
	_ =	sdelay $0x1  }
0xee: {  	s0 =	simm.s32 $0x3F00  }
0xef: {  	v2 =	vld [tilespmem:s0+$0x0];
	_ =	sdelay $0x3  }
0xf0: {  	v3 =	vld [tilespmem:s1+$0xFFFFFF80]  }
0xf1: {  	[tilespmem:v1+s26+$0x0] =	vst.idx.add.f32.msk $0xffff, v2  }
0xf2: {  	v1 =	vld [tilespmem:s1+$0x10]  }
0xf3: {  	v4 =	vld [tilespmem:s0+$0xFFFFFF80];
	_ =	sdelay $0x1  }
0xf4: {  	v2 =	vld [tilespmem:s0+$0x10];
	_ =	sdelay $0x2  }
0xf5: {  	[tilespmem:v3+s26+$0x0] =	vst.idx.add.f32.msk $0xffff, v4  }
0xf6: {  	v3 =	vld [tilespmem:s1+$0xFFFFFF90]  }
0xf7: {  	[tilespmem:v1+s26+$0x0] =	vst.idx.add.f32.msk $0xffff, v2  }
0xf8: {  	v1 =	vld [tilespmem:s1+$0x20]  }
0xf9: {  	v4 =	vld [tilespmem:s0+$0xFFFFFF90];
	_ =	sdelay $0x1  }
0xfa: {  	v2 =	vld [tilespmem:s0+$0x20];
	_ =	sdelay $0x2  }
0xfb: {  	[tilespmem:v3+s26+$0x0] =	vst.idx.add.f32.msk $0xffff, v4  }
0xfc: {  	v3 =	vld [tilespmem:s1+$0xFFFFFFA0]  }
0xfd: {  	[tilespmem:v1+s26+$0x0] =	vst.idx.add.f32.msk $0xffff, v2  }
0xfe: {  	v1 =	vld [tilespmem:s1+$0x30]  }
0xff: {  	v4 =	vld [tilespmem:s0+$0xFFFFFFA0];
	_ =	sdelay $0x1  }
0x100: {  	v2 =	vld [tilespmem:s0+$0x30]  }
0x101: {  	s17 =	simm.s32 $0xE00  }
0x102: {  	v7 =	vld [tilespmem:s17+$0xFFFFFF80]  }
0x103: {  	[tilespmem:v3+s26+$0x0] =	vst.idx.add.f32.msk $0xffff, v4  }
0x104: {  	v3 =	vld [tilespmem:s1+$0xFFFFFFB0]  }
0x105: {  	[tilespmem:v1+s26+$0x0] =	vst.idx.add.f32.msk $0xffff, v2  }
0x106: {  	s18 =	simm.s32 $0x4000;
	v1 =	vld [tilespmem:s1+$0x40]  }
0x107: {  	v8 =	vld [tilespmem:s18+$0xFFFFFF80]  }
0x108: {  	v4 =	vld [tilespmem:s0+$0xFFFFFFB0]  }
0x109: {  	v2 =	vld [tilespmem:s0+$0x40];
	_ =	sdelay $0x1  }
0x10a: {  	v5 =	vld [tilespmem:s17+$0x0]  }
0x10b: {  	[tilespmem:v7+s26+$0x0] =	vst.idx.add.f32.msk $0xffff, v8  }
0x10c: {  	[tilespmem:v3+s26+$0x0] =	vst.idx.add.f32.msk $0xffff, v4  }
0x10d: {  	[tilespmem:v1+s26+$0x0] =	vst.idx.add.f32.msk $0xffff, v2  }
0x10e: {  	v2 =	vld [tilespmem:s18+$0x0]  }
0x10f: {  	v3 =	vld [tilespmem:s1+$0xFFFFFFC0]  }
0x110: {  	v4 =	vld [tilespmem:s0+$0xFFFFFFC0]  }
0x111: {  	v1 =	vld [tilespmem:s1+$0x50]  }
0x112: {  	v60 =	vld [tilespmem:s0+$0x50]  }
0x113: {  	[tilespmem:v5+s26+$0x0] =	vst.idx.add.f32.msk $0xffff, v2  }
0x114: {  	v5 =	vld [tilespmem:s17+$0xFFFFFF90]  }
0x115: {  	v2 =	vld [tilespmem:s17+$0x10]  }
0x116: {  	v61 =	vld [tilespmem:s18+$0xFFFFFF90]  }
0x117: {  	[tilespmem:v3+s26+$0x0] =	vst.idx.add.f32.msk $0xffff, v4  }
0x118: {  	v3 =	vld [tilespmem:s18+$0x10]  }
0x119: {  	[tilespmem:v1+s26+$0x0] =	vst.idx.add.f32.msk $0xffff, v60  }
0x11a: {  	v1 =	vld [tilespmem:s1+$0x60]  }
0x11b: {  	v4 =	vld [tilespmem:s0+$0x60]  }
0x11c: {  	[tilespmem:v5+s26+$0x0] =	vst.idx.add.f32.msk $0xffff, v61  }
0x11d: {  	[tilespmem:v2+s26+$0x0] =	vst.idx.add.f32.msk $0xffff, v3  }
0x11e: {  	v5 =	vld [tilespmem:s17+$0xFFFFFFA0]  }
0x11f: {  	v6 =	vld [tilespmem:s18+$0xFFFFFFA0]  }
0x120: {  	v2 =	vld [tilespmem:s17+$0x20]  }
0x121: {  	v3 =	vld [tilespmem:s18+$0x20]  }
0x122: {  	[tilespmem:v1+s26+$0x0] =	vst.idx.add.f32.msk $0xffff, v4  }
0x123: {  	v1 =	vld [tilespmem:s1+$0x70];
	_ =	sdelay $0x2  }
0x124: {  	v4 =	vld [tilespmem:s0+$0x70]  }
0x125: {  	[tilespmem:v5+s26+$0x0] =	vst.idx.add.f32.msk $0xffff, v6  }
0x126: {  	[tilespmem:v2+s26+$0x0] =	vst.idx.add.f32.msk $0xffff, v3  }
0x127: {  	v2 =	vld [tilespmem:s17+$0x30]  }
0x128: {  	v3 =	vld [tilespmem:s1+$0xFFFFFFD0]  }
0x129: {  	[tilespmem:v1+s26+$0x0] =	vst.idx.add.f32.msk $0xffff, v4  }
0x12a: {  	v1 =	vld [tilespmem:s18+$0x30]  }
0x12b: {  	v5 =	vld [tilespmem:s17+$0xFFFFFFB0]  }
0x12c: {  	v4 =	vld [tilespmem:s0+$0xFFFFFFD0];
	_ =	sdelay $0x1  }
0x12d: {  	v6 =	vld [tilespmem:s18+$0xFFFFFFB0]  }
0x12e: {  	[tilespmem:v2+s26+$0x0] =	vst.idx.add.f32.msk $0xffff, v1  }
0x12f: {  	v62 =	vld [tilespmem:s17+$0x40]  }
0x130: {  	[tilespmem:v3+s26+$0x0] =	vst.idx.add.f32.msk $0xffff, v4  }
0x131: {  	v4 =	vld [tilespmem:s1+$0xFFFFFFE0]  }
0x132: {  	v3 =	vld [tilespmem:s18+$0x40]  }
0x133: {  	[tilespmem:v5+s26+$0x0] =	vst.idx.add.f32.msk $0xffff, v6  }
0x134: {  	v63 =	vld [tilespmem:s0+$0xFFFFFFE0]  }
0x135: {  	v1 =	vld [tilespmem:s17+$0xFFFFFFC0]  }
0x136: {  	v2 =	vld [tilespmem:s18+$0xFFFFFFC0]  }
0x137: {  	[tilespmem:v62+s26+$0x0] =	vst.idx.add.f32.msk $0xffff, v3  }
0x138: {  	v3 =	vld [tilespmem:s17+$0x50]  }
0x139: {  	s20 =	simm.s32 $0x2;
	s21 =	simm.s32 $0xF00;
	s19 =	simm.s32 $0x4000;
	[tilespmem:v4+s26+$0x0] =	vst.idx.add.f32.msk $0xffff, v63  }
.LBB2_7:
0x13a: {  	v4 =	vld [tilespmem:s21+$0x0]  }
0x13b: {  	s20 =	sadd.s32 $0x2, s20;
	v5 =	vld [tilespmem:s18+$0x50]  }
0x13c: {  	p2 =	slt.u32 s20, $0x16;
	s18 =	sadd.s32 $0x100, s18;
	v6 =	vld [tilespmem:s21+$0xFFFFFF80]  }
0x13d: {  	v7 =	vld [tilespmem:s18+$0x0]  }
0x13e: {  	v8 =	vld [tilespmem:s18+$0xFFFFFF80]  }
0x13f: {  	[tilespmem:v1+s26+$0x0] =	vst.idx.add.f32.msk $0xffff, v2  }
0x140: {  	[tilespmem:v3+s26+$0x0] =	vst.idx.add.f32.msk $0xffff, v5  }
0x141: {  	v1 =	vld [tilespmem:s17+$0x60]  }
0x142: {  	[tilespmem:v4+s26+$0x0] =	vst.idx.add.f32.msk $0xffff, v7  }
0x143: {  	v2 =	vld [tilespmem:s21+$0x10]  }
0x144: {  	v3 =	vld [tilespmem:s19+$0x60]  }
0x145: {  	[tilespmem:v6+s26+$0x0] =	vst.idx.add.f32.msk $0xffff, v8  }
0x146: {  	v4 =	vld [tilespmem:s18+$0x10]  }
0x147: {  	v5 =	vld [tilespmem:s21+$0xFFFFFF90]  }
0x148: {  	v6 =	vld [tilespmem:s18+$0xFFFFFF90]  }
0x149: {  	[tilespmem:v1+s26+$0x0] =	vst.idx.add.f32.msk $0xffff, v3  }
0x14a: {  	v1 =	vld [tilespmem:s17+$0x70]  }
0x14b: {  	[tilespmem:v2+s26+$0x0] =	vst.idx.add.f32.msk $0xffff, v4  }
0x14c: {  	v2 =	vld [tilespmem:s21+$0x20]  }
0x14d: {  	v3 =	vld [tilespmem:s19+$0x70]  }
0x14e: {  	v4 =	vld [tilespmem:s17+$0xFFFFFFD0]  }
0x14f: {  	[tilespmem:v5+s26+$0x0] =	vst.idx.add.f32.msk $0xffff, v6  }
0x150: {  	v5 =	vld [tilespmem:s18+$0x20]  }
0x151: {  	v6 =	vld [tilespmem:s21+$0xFFFFFFA0]  }
0x152: {  	[tilespmem:v1+s26+$0x0] =	vst.idx.add.f32.msk $0xffff, v3  }
0x153: {  	v1 =	vld [tilespmem:s18+$0xFFFFFFA0]  }
0x154: {  	v3 =	vld [tilespmem:s19+$0xFFFFFFD0]  }
0x155: {  	[tilespmem:v2+s26+$0x0] =	vst.idx.add.f32.msk $0xffff, v5  }
0x156: {  	v2 =	vld [tilespmem:s21+$0x30]  }
0x157: {  	v5 =	vld [tilespmem:s1+$0xFFFFFFF0];
	s1 =	smov.u32 s17;
	s17 =	smov.u32 s21  }
0x158: {  	v7 =	vld [tilespmem:s0+$0xFFFFFFF0];
	s0 =	smov.u32 s19;
	s19 =	smov.u32 s18  }
0x159: {  	v8 =	vld [tilespmem:s18+$0x30]  }
0x15a: {  	[tilespmem:v6+s26+$0x0] =	vst.idx.add.f32.msk $0xffff, v1  }
0x15b: {  	v1 =	vld [tilespmem:s21+$0xFFFFFFB0]  }
0x15c: {  	v6 =	vld [tilespmem:s18+$0xFFFFFFB0]  }
0x15d: {  	[tilespmem:v4+s26+$0x0] =	vst.idx.add.f32.msk $0xffff, v3  }
0x15e: {  	[tilespmem:v2+s26+$0x0] =	vst.idx.add.f32.msk $0xffff, v8  }
0x15f: {  	v3 =	vld [tilespmem:s21+$0x40]  }
0x160: {  	v4 =	vld [tilespmem:s1+$0xFFFFFFE0]  }
0x161: {  	v8 =	vld [tilespmem:s0+$0xFFFFFFE0]  }
0x162: {  	v9 =	vld [tilespmem:s18+$0x40]  }
0x163: {  	[tilespmem:v1+s26+$0x0] =	vst.idx.add.f32.msk $0xffff, v6  }
0x164: {  	v1 =	vld [tilespmem:s21+$0xFFFFFFC0]  }
.Ltmp4:
0x165: {  	v2 =	vld [tilespmem:s18+$0xFFFFFFC0];
	(pc) =	sbr.rel @p2 .LBB2_7-.Ltmp4, $4  }
0x166: {  	[tilespmem:v5+s26+$0x0] =	vst.idx.add.f32.msk $0xffff, v7  }
0x167: {  	[tilespmem:v3+s26+$0x0] =	vst.idx.add.f32.msk $0xffff, v9  }
0x168: {  	v3 =	vld [tilespmem:s21+$0x50]  }
0x169: {  	s21 =	sadd.s32 $0x100, s21;
	[tilespmem:v4+s26+$0x0] =	vst.idx.add.f32.msk $0xffff, v8  }
0x16a: {  	_ =	sdelay $0x2  }
0x16b: {  	v4 =	vld [tilespmem:s18+$0x50]  }
0x16c: {  	[tilespmem:v1+s26+$0x0] =	vst.idx.add.f32.msk $0xffff, v2  }
0x16d: {  	v1 =	vld [tilespmem:s17+$0xFFFFFFD0];
	_ =	sdelay $0x2  }
0x16e: {  	v2 =	vld [tilespmem:s19+$0xFFFFFFD0];
	_ =	sdelay $0x1  }
0x16f: {  	[tilespmem:v3+s26+$0x0] =	vst.idx.add.f32.msk $0xffff, v4  }
0x170: {  	v3 =	vld [tilespmem:s17+$0x60]  }
0x171: {  	v4 =	vld [tilespmem:s19+$0x60]  }
0x172: {  	[tilespmem:v1+s26+$0x0] =	vst.idx.add.f32.msk $0xffff, v2  }
0x173: {  	v1 =	vld [tilespmem:s17+$0xFFFFFFE0];
	_ =	sdelay $0x2  }
0x174: {  	v2 =	vld [tilespmem:s19+$0xFFFFFFE0];
	_ =	sdelay $0x1  }
0x175: {  	[tilespmem:v3+s26+$0x0] =	vst.idx.add.f32.msk $0xffff, v4  }
0x176: {  	v4 =	vld [tilespmem:s1+$0xFFFFFFF0]  }
0x177: {  	v3 =	vld [tilespmem:s17+$0x70]  }
0x178: {  	[tilespmem:v1+s26+$0x0] =	vst.idx.add.f32.msk $0xffff, v2  }
0x179: {  	v1 =	vld [tilespmem:s17+$0xFFFFFFF0]  }
0x17a: {  	v5 =	vld [tilespmem:s0+$0xFFFFFFF0]  }
0x17b: {  	v2 =	vld [tilespmem:s19+$0x70]  }
0x17c: {  	v6 =	vld [tilespmem:s19+$0xFFFFFFF0];
	_ =	sdelay $0x2  }
0x17d: {  	[tilespmem:v4+s26+$0x0] =	vst.idx.add.f32.msk $0xffff, v5  }
0x17e: {  	[tilespmem:v3+s26+$0x0] =	vst.idx.add.f32.msk $0xffff, v2  }
0x17f: {  	[tilespmem:v1+s26+$0x0] =	vst.idx.add.f32.msk $0xffff, v6  }
0x180: {  	v1 =	vld [tilespmem:$0x1880];
	_ =	sdelay $0x2  }
0x181: {  	v2 =	vld [tilespmem:$0x4A80];
	_ =	sdelay $0x4  }
0x182: {  	[tilespmem:v1+s26+$0x0] =	vst.idx.add.f32.msk $0xffff, v2  }
0x183: {  	v1 =	vld [tilespmem:$0x1890];
	_ =	sdelay $0x2  }
0x184: {  	v2 =	vld [tilespmem:$0x4A90];
	_ =	sdelay $0x4  }
0x185: {  	[tilespmem:v1+s26+$0x0] =	vst.idx.add.f32.msk $0xffff, v2  }
0x186: {  	v1 =	vld [tilespmem:$0x18A0];
	_ =	sdelay $0x2  }
0x187: {  	v2 =	vld [tilespmem:$0x4AA0];
	_ =	sdelay $0x4  }
0x188: {  	[tilespmem:v1+s26+$0x0] =	vst.idx.add.f32.msk $0xffff, v2  }
0x189: {  	v1 =	vld [tilespmem:$0x18B0];
	_ =	sdelay $0x2  }
0x18a: {  	v2 =	vld [tilespmem:$0x4AB0];
	_ =	sdelay $0x4  }
0x18b: {  	[tilespmem:v1+s26+$0x0] =	vst.idx.add.f32.msk $0xffff, v2  }
0x18c: {  	v1 =	vld [tilespmem:$0x18C0];
	_ =	sdelay $0x2  }
0x18d: {  	v2 =	vld [tilespmem:$0x4AC0];
	_ =	sdelay $0x4  }
0x18e: {  	[tilespmem:v1+s26+$0x0] =	vst.idx.add.f32.msk $0xffff, v2  }
0x18f: {  	v1 =	vld [tilespmem:$0x18D0];
	_ =	sdelay $0x2  }
0x190: {  	v2 =	vld [tilespmem:$0x4AD0];
	_ =	sdelay $0x4  }
0x191: {  	[tilespmem:v1+s26+$0x0] =	vst.idx.add.f32.msk $0xffff, v2  }
0x192: {  	v1 =	vld [tilespmem:$0x18E0];
	_ =	sdelay $0x2  }
0x193: {  	v2 =	vld [tilespmem:$0x4AE0];
	_ =	sdelay $0x4  }
0x194: {  	[tilespmem:v1+s26+$0x0] =	vst.idx.add.f32.msk $0xffff, v2  }
0x195: {  	v1 =	vld [tilespmem:$0x18F0];
	_ =	sdelay $0x2  }
0x196: {  	s0 =	sadd.s32 @!p1 $0x5, s31;
	v2 =	vld [tilespmem:$0x4AF0]  }
0x197: {  	s1 =	smul.u32 @!p1 $0x320, s0  }
0x198: {  	s0 =	smul.u32 @!p1 $0x6400, s0;
	_ =	sdelay $0x1  }
0x199: {  	s18 =	simm.s32 @!p1 $0x100;
	s1 =	sadd.s32 @!p1 s1, s11;
	s0 =	sadd.s32 @!p1 s5, s0  }
0x19a: {  	s0 =	sshrl.u32 @!p1 s0, $0x3;
	s17 =	simm.s32 @!p1 $0x80;
	s19 =	simm.s32 @!p1 $0xC80;
	[tilespmem:v1+s26+$0x0] =	vst.idx.add.f32.msk $0xffff, v2  }
0x19b: {  	[tilespmem:s19], [sflag:$0x1] =	stream.strided.gather @!p1 [hbm4b:s1+s17], $0xC80, s18, s17, $0x38;
	[tilespmem:$0x1EAA0] =	vst v63  }
0x19c: {  	s0 =	sadd.s32 @!p1 s3, s0;
	s1 =	simm.s32 @!p1 $0x400;
	s18 =	simm.s32 @!p1 $0x3E80  }
0x19d: {  	[tilespmem:s18], [sflag:$0x2] =	stream.strided.gather @!p1 [hbm4b:s0+s17], $0xC80, s1, s17, $0x38;
	[tilespmem:$0x1EAA0] =	vst v63  }
0x19e: {  	_ =	swait.ge [sflag:s24], $0xC80  }
0x19f: {  	[sflag:s24] =	ssyncset.done $0x0  }
0x1a0: {  	[sflag:s24] =	ssyncadd.s32 $0xFFFFF380  }
0x1a1: {  	_ =	swait.ge [sflag:s25], $0xC80  }
0x1a2: {  	[sflag:s25] =	ssyncset.done $0x0  }
0x1a3: {  	s1 =	simm.s32 $0x1980;
	[sflag:s25] =	ssyncadd.s32 $0xFFFFF380  }
0x1a4: {  	v1 =	vld [tilespmem:s1+$0x0];
	_ =	sdelay $0x1  }
0x1a5: {  	s0 =	simm.s32 $0x4B80  }
0x1a6: {  	v2 =	vld [tilespmem:s0+$0x0];
	_ =	sdelay $0x3  }
0x1a7: {  	v3 =	vld [tilespmem:s1+$0xFFFFFF80]  }
0x1a8: {  	[tilespmem:v1+s26+$0x0] =	vst.idx.add.f32.msk $0xffff, v2  }
0x1a9: {  	v1 =	vld [tilespmem:s1+$0x10]  }
0x1aa: {  	v4 =	vld [tilespmem:s0+$0xFFFFFF80];
	_ =	sdelay $0x1  }
0x1ab: {  	v2 =	vld [tilespmem:s0+$0x10];
	_ =	sdelay $0x2  }
0x1ac: {  	[tilespmem:v3+s26+$0x0] =	vst.idx.add.f32.msk $0xffff, v4  }
0x1ad: {  	v3 =	vld [tilespmem:s1+$0xFFFFFF90]  }
0x1ae: {  	[tilespmem:v1+s26+$0x0] =	vst.idx.add.f32.msk $0xffff, v2  }
0x1af: {  	v1 =	vld [tilespmem:s1+$0x20]  }
0x1b0: {  	v4 =	vld [tilespmem:s0+$0xFFFFFF90];
	_ =	sdelay $0x1  }
0x1b1: {  	v2 =	vld [tilespmem:s0+$0x20];
	_ =	sdelay $0x2  }
0x1b2: {  	[tilespmem:v3+s26+$0x0] =	vst.idx.add.f32.msk $0xffff, v4  }
0x1b3: {  	v3 =	vld [tilespmem:s1+$0xFFFFFFA0]  }
0x1b4: {  	[tilespmem:v1+s26+$0x0] =	vst.idx.add.f32.msk $0xffff, v2  }
0x1b5: {  	v1 =	vld [tilespmem:s1+$0x30]  }
0x1b6: {  	v4 =	vld [tilespmem:s0+$0xFFFFFFA0];
	_ =	sdelay $0x1  }
0x1b7: {  	v2 =	vld [tilespmem:s0+$0x30]  }
0x1b8: {  	s17 =	simm.s32 $0x1A80  }
0x1b9: {  	v7 =	vld [tilespmem:s17+$0xFFFFFF80]  }
0x1ba: {  	[tilespmem:v3+s26+$0x0] =	vst.idx.add.f32.msk $0xffff, v4  }
0x1bb: {  	v3 =	vld [tilespmem:s1+$0xFFFFFFB0]  }
0x1bc: {  	[tilespmem:v1+s26+$0x0] =	vst.idx.add.f32.msk $0xffff, v2  }
0x1bd: {  	s18 =	simm.s32 $0x4C80;
	v1 =	vld [tilespmem:s1+$0x40]  }
0x1be: {  	v8 =	vld [tilespmem:s18+$0xFFFFFF80]  }
0x1bf: {  	v4 =	vld [tilespmem:s0+$0xFFFFFFB0]  }
0x1c0: {  	v2 =	vld [tilespmem:s0+$0x40];
	_ =	sdelay $0x1  }
0x1c1: {  	v5 =	vld [tilespmem:s17+$0x0]  }
0x1c2: {  	[tilespmem:v7+s26+$0x0] =	vst.idx.add.f32.msk $0xffff, v8  }
0x1c3: {  	[tilespmem:v3+s26+$0x0] =	vst.idx.add.f32.msk $0xffff, v4  }
0x1c4: {  	[tilespmem:v1+s26+$0x0] =	vst.idx.add.f32.msk $0xffff, v2  }
0x1c5: {  	v2 =	vld [tilespmem:s18+$0x0]  }
0x1c6: {  	v3 =	vld [tilespmem:s1+$0xFFFFFFC0]  }
0x1c7: {  	v4 =	vld [tilespmem:s0+$0xFFFFFFC0]  }
0x1c8: {  	v1 =	vld [tilespmem:s1+$0x50]  }
0x1c9: {  	v60 =	vld [tilespmem:s0+$0x50]  }
0x1ca: {  	[tilespmem:v5+s26+$0x0] =	vst.idx.add.f32.msk $0xffff, v2  }
0x1cb: {  	v5 =	vld [tilespmem:s17+$0xFFFFFF90]  }
0x1cc: {  	v2 =	vld [tilespmem:s17+$0x10]  }
0x1cd: {  	v61 =	vld [tilespmem:s18+$0xFFFFFF90]  }
0x1ce: {  	[tilespmem:v3+s26+$0x0] =	vst.idx.add.f32.msk $0xffff, v4  }
0x1cf: {  	v3 =	vld [tilespmem:s18+$0x10]  }
0x1d0: {  	[tilespmem:v1+s26+$0x0] =	vst.idx.add.f32.msk $0xffff, v60  }
0x1d1: {  	v1 =	vld [tilespmem:s1+$0x60]  }
0x1d2: {  	v4 =	vld [tilespmem:s0+$0x60]  }
0x1d3: {  	[tilespmem:v5+s26+$0x0] =	vst.idx.add.f32.msk $0xffff, v61  }
0x1d4: {  	[tilespmem:v2+s26+$0x0] =	vst.idx.add.f32.msk $0xffff, v3  }
0x1d5: {  	v5 =	vld [tilespmem:s17+$0xFFFFFFA0]  }
0x1d6: {  	v6 =	vld [tilespmem:s18+$0xFFFFFFA0]  }
0x1d7: {  	v2 =	vld [tilespmem:s17+$0x20]  }
0x1d8: {  	v3 =	vld [tilespmem:s18+$0x20]  }
0x1d9: {  	[tilespmem:v1+s26+$0x0] =	vst.idx.add.f32.msk $0xffff, v4  }
0x1da: {  	v1 =	vld [tilespmem:s1+$0x70];
	_ =	sdelay $0x2  }
0x1db: {  	v4 =	vld [tilespmem:s0+$0x70]  }
0x1dc: {  	[tilespmem:v5+s26+$0x0] =	vst.idx.add.f32.msk $0xffff, v6  }
0x1dd: {  	[tilespmem:v2+s26+$0x0] =	vst.idx.add.f32.msk $0xffff, v3  }
0x1de: {  	v2 =	vld [tilespmem:s17+$0x30]  }
0x1df: {  	v3 =	vld [tilespmem:s1+$0xFFFFFFD0]  }
0x1e0: {  	[tilespmem:v1+s26+$0x0] =	vst.idx.add.f32.msk $0xffff, v4  }
0x1e1: {  	v1 =	vld [tilespmem:s18+$0x30]  }
0x1e2: {  	v5 =	vld [tilespmem:s17+$0xFFFFFFB0]  }
0x1e3: {  	v4 =	vld [tilespmem:s0+$0xFFFFFFD0];
	_ =	sdelay $0x1  }
0x1e4: {  	v6 =	vld [tilespmem:s18+$0xFFFFFFB0]  }
0x1e5: {  	[tilespmem:v2+s26+$0x0] =	vst.idx.add.f32.msk $0xffff, v1  }
0x1e6: {  	v62 =	vld [tilespmem:s17+$0x40]  }
0x1e7: {  	[tilespmem:v3+s26+$0x0] =	vst.idx.add.f32.msk $0xffff, v4  }
0x1e8: {  	v4 =	vld [tilespmem:s1+$0xFFFFFFE0]  }
0x1e9: {  	v3 =	vld [tilespmem:s18+$0x40]  }
0x1ea: {  	[tilespmem:v5+s26+$0x0] =	vst.idx.add.f32.msk $0xffff, v6  }
0x1eb: {  	v63 =	vld [tilespmem:s0+$0xFFFFFFE0]  }
0x1ec: {  	v1 =	vld [tilespmem:s17+$0xFFFFFFC0]  }
0x1ed: {  	v2 =	vld [tilespmem:s18+$0xFFFFFFC0]  }
0x1ee: {  	[tilespmem:v62+s26+$0x0] =	vst.idx.add.f32.msk $0xffff, v3  }
0x1ef: {  	v3 =	vld [tilespmem:s17+$0x50]  }
0x1f0: {  	s20 =	simm.s32 $0x2;
	s21 =	simm.s32 $0x1B80;
	s19 =	simm.s32 $0x4C80;
	[tilespmem:v4+s26+$0x0] =	vst.idx.add.f32.msk $0xffff, v63  }
.LBB2_9:
0x1f1: {  	v4 =	vld [tilespmem:s21+$0x0]  }
0x1f2: {  	s20 =	sadd.s32 $0x2, s20;
	v5 =	vld [tilespmem:s18+$0x50]  }
0x1f3: {  	p2 =	slt.u32 s20, $0x16;
	s18 =	sadd.s32 $0x100, s18;
	v6 =	vld [tilespmem:s21+$0xFFFFFF80]  }
0x1f4: {  	v7 =	vld [tilespmem:s18+$0x0]  }
0x1f5: {  	v8 =	vld [tilespmem:s18+$0xFFFFFF80]  }
0x1f6: {  	[tilespmem:v1+s26+$0x0] =	vst.idx.add.f32.msk $0xffff, v2  }
0x1f7: {  	[tilespmem:v3+s26+$0x0] =	vst.idx.add.f32.msk $0xffff, v5  }
0x1f8: {  	v1 =	vld [tilespmem:s17+$0x60]  }
0x1f9: {  	[tilespmem:v4+s26+$0x0] =	vst.idx.add.f32.msk $0xffff, v7  }
0x1fa: {  	v2 =	vld [tilespmem:s21+$0x10]  }
0x1fb: {  	v3 =	vld [tilespmem:s19+$0x60]  }
0x1fc: {  	[tilespmem:v6+s26+$0x0] =	vst.idx.add.f32.msk $0xffff, v8  }
0x1fd: {  	v4 =	vld [tilespmem:s18+$0x10]  }
0x1fe: {  	v5 =	vld [tilespmem:s21+$0xFFFFFF90]  }
0x1ff: {  	v6 =	vld [tilespmem:s18+$0xFFFFFF90]  }
0x200: {  	[tilespmem:v1+s26+$0x0] =	vst.idx.add.f32.msk $0xffff, v3  }
0x201: {  	v1 =	vld [tilespmem:s17+$0x70]  }
0x202: {  	[tilespmem:v2+s26+$0x0] =	vst.idx.add.f32.msk $0xffff, v4  }
0x203: {  	v2 =	vld [tilespmem:s21+$0x20]  }
0x204: {  	v3 =	vld [tilespmem:s19+$0x70]  }
0x205: {  	v4 =	vld [tilespmem:s17+$0xFFFFFFD0]  }
0x206: {  	[tilespmem:v5+s26+$0x0] =	vst.idx.add.f32.msk $0xffff, v6  }
0x207: {  	v5 =	vld [tilespmem:s18+$0x20]  }
0x208: {  	v6 =	vld [tilespmem:s21+$0xFFFFFFA0]  }
0x209: {  	[tilespmem:v1+s26+$0x0] =	vst.idx.add.f32.msk $0xffff, v3  }
0x20a: {  	v1 =	vld [tilespmem:s18+$0xFFFFFFA0]  }
0x20b: {  	v3 =	vld [tilespmem:s19+$0xFFFFFFD0]  }
0x20c: {  	[tilespmem:v2+s26+$0x0] =	vst.idx.add.f32.msk $0xffff, v5  }
0x20d: {  	v2 =	vld [tilespmem:s21+$0x30]  }
0x20e: {  	v5 =	vld [tilespmem:s1+$0xFFFFFFF0];
	s1 =	smov.u32 s17;
	s17 =	smov.u32 s21  }
0x20f: {  	v7 =	vld [tilespmem:s0+$0xFFFFFFF0];
	s0 =	smov.u32 s19;
	s19 =	smov.u32 s18  }
0x210: {  	v8 =	vld [tilespmem:s18+$0x30]  }
0x211: {  	[tilespmem:v6+s26+$0x0] =	vst.idx.add.f32.msk $0xffff, v1  }
0x212: {  	v1 =	vld [tilespmem:s21+$0xFFFFFFB0]  }
0x213: {  	v6 =	vld [tilespmem:s18+$0xFFFFFFB0]  }
0x214: {  	[tilespmem:v4+s26+$0x0] =	vst.idx.add.f32.msk $0xffff, v3  }
0x215: {  	[tilespmem:v2+s26+$0x0] =	vst.idx.add.f32.msk $0xffff, v8  }
0x216: {  	v3 =	vld [tilespmem:s21+$0x40]  }
0x217: {  	v4 =	vld [tilespmem:s1+$0xFFFFFFE0]  }
0x218: {  	v8 =	vld [tilespmem:s0+$0xFFFFFFE0]  }
0x219: {  	v9 =	vld [tilespmem:s18+$0x40]  }
0x21a: {  	[tilespmem:v1+s26+$0x0] =	vst.idx.add.f32.msk $0xffff, v6  }
0x21b: {  	v1 =	vld [tilespmem:s21+$0xFFFFFFC0]  }
.Ltmp5:
0x21c: {  	v2 =	vld [tilespmem:s18+$0xFFFFFFC0];
	(pc) =	sbr.rel @p2 .LBB2_9-.Ltmp5, $4  }
0x21d: {  	[tilespmem:v5+s26+$0x0] =	vst.idx.add.f32.msk $0xffff, v7  }
0x21e: {  	[tilespmem:v3+s26+$0x0] =	vst.idx.add.f32.msk $0xffff, v9  }
0x21f: {  	v3 =	vld [tilespmem:s21+$0x50]  }
0x220: {  	s21 =	sadd.s32 $0x100, s21;
	[tilespmem:v4+s26+$0x0] =	vst.idx.add.f32.msk $0xffff, v8  }
0x221: {  	_ =	sdelay $0x2  }
0x222: {  	v4 =	vld [tilespmem:s18+$0x50]  }
0x223: {  	[tilespmem:v1+s26+$0x0] =	vst.idx.add.f32.msk $0xffff, v2  }
0x224: {  	v1 =	vld [tilespmem:s17+$0xFFFFFFD0];
	_ =	sdelay $0x2  }
0x225: {  	v2 =	vld [tilespmem:s19+$0xFFFFFFD0];
	_ =	sdelay $0x1  }
0x226: {  	[tilespmem:v3+s26+$0x0] =	vst.idx.add.f32.msk $0xffff, v4  }
0x227: {  	v3 =	vld [tilespmem:s17+$0x60]  }
0x228: {  	v4 =	vld [tilespmem:s19+$0x60]  }
0x229: {  	[tilespmem:v1+s26+$0x0] =	vst.idx.add.f32.msk $0xffff, v2  }
0x22a: {  	v1 =	vld [tilespmem:s17+$0xFFFFFFE0];
	_ =	sdelay $0x2  }
0x22b: {  	v2 =	vld [tilespmem:s19+$0xFFFFFFE0];
	_ =	sdelay $0x1  }
0x22c: {  	[tilespmem:v3+s26+$0x0] =	vst.idx.add.f32.msk $0xffff, v4  }
0x22d: {  	v4 =	vld [tilespmem:s1+$0xFFFFFFF0]  }
0x22e: {  	v3 =	vld [tilespmem:s17+$0x70]  }
0x22f: {  	[tilespmem:v1+s26+$0x0] =	vst.idx.add.f32.msk $0xffff, v2  }
0x230: {  	v1 =	vld [tilespmem:s17+$0xFFFFFFF0]  }
0x231: {  	v5 =	vld [tilespmem:s0+$0xFFFFFFF0]  }
0x232: {  	v2 =	vld [tilespmem:s19+$0x70]  }
0x233: {  	v6 =	vld [tilespmem:s19+$0xFFFFFFF0];
	_ =	sdelay $0x2  }
0x234: {  	[tilespmem:v4+s26+$0x0] =	vst.idx.add.f32.msk $0xffff, v5  }
0x235: {  	[tilespmem:v3+s26+$0x0] =	vst.idx.add.f32.msk $0xffff, v2  }
0x236: {  	[tilespmem:v1+s26+$0x0] =	vst.idx.add.f32.msk $0xffff, v6  }
0x237: {  	v1 =	vld [tilespmem:$0x2500];
	_ =	sdelay $0x2  }
0x238: {  	v2 =	vld [tilespmem:$0x5700];
	_ =	sdelay $0x4  }
0x239: {  	[tilespmem:v1+s26+$0x0] =	vst.idx.add.f32.msk $0xffff, v2  }
0x23a: {  	v1 =	vld [tilespmem:$0x2510];
	_ =	sdelay $0x2  }
0x23b: {  	v2 =	vld [tilespmem:$0x5710];
	_ =	sdelay $0x4  }
0x23c: {  	[tilespmem:v1+s26+$0x0] =	vst.idx.add.f32.msk $0xffff, v2  }
0x23d: {  	v1 =	vld [tilespmem:$0x2520];
	_ =	sdelay $0x2  }
0x23e: {  	v2 =	vld [tilespmem:$0x5720];
	_ =	sdelay $0x4  }
0x23f: {  	[tilespmem:v1+s26+$0x0] =	vst.idx.add.f32.msk $0xffff, v2  }
0x240: {  	v1 =	vld [tilespmem:$0x2530];
	_ =	sdelay $0x2  }
0x241: {  	v2 =	vld [tilespmem:$0x5730];
	_ =	sdelay $0x4  }
0x242: {  	[tilespmem:v1+s26+$0x0] =	vst.idx.add.f32.msk $0xffff, v2  }
0x243: {  	v1 =	vld [tilespmem:$0x2540];
	_ =	sdelay $0x2  }
0x244: {  	v2 =	vld [tilespmem:$0x5740];
	_ =	sdelay $0x4  }
0x245: {  	[tilespmem:v1+s26+$0x0] =	vst.idx.add.f32.msk $0xffff, v2  }
0x246: {  	v1 =	vld [tilespmem:$0x2550];
	_ =	sdelay $0x2  }
0x247: {  	v2 =	vld [tilespmem:$0x5750];
	_ =	sdelay $0x4  }
0x248: {  	[tilespmem:v1+s26+$0x0] =	vst.idx.add.f32.msk $0xffff, v2  }
0x249: {  	v1 =	vld [tilespmem:$0x2560];
	_ =	sdelay $0x2  }
0x24a: {  	v2 =	vld [tilespmem:$0x5760];
	_ =	sdelay $0x4  }
0x24b: {  	[tilespmem:v1+s26+$0x0] =	vst.idx.add.f32.msk $0xffff, v2  }
0x24c: {  	v1 =	vld [tilespmem:$0x2570];
	_ =	sdelay $0x2  }
0x24d: {  	s0 =	sadd.s32 @!p1 $0x6, s31;
	v2 =	vld [tilespmem:$0x5770]  }
0x24e: {  	s1 =	smul.u32 @!p1 $0x320, s0  }
0x24f: {  	s0 =	smul.u32 @!p1 $0x6400, s0;
	_ =	sdelay $0x1  }
0x250: {  	s18 =	simm.s32 @!p1 $0x100;
	s1 =	sadd.s32 @!p1 s1, s11;
	s0 =	sadd.s32 @!p1 s5, s0  }
0x251: {  	s0 =	sshrl.u32 @!p1 s0, $0x3;
	s17 =	simm.s32 @!p1 $0x80;
	s19 =	simm.s32 @!p1 $0x1900;
	[tilespmem:v1+s26+$0x0] =	vst.idx.add.f32.msk $0xffff, v2  }
0x252: {  	[tilespmem:s19], [sflag:$0x1] =	stream.strided.gather @!p1 [hbm4b:s1+s17], $0xC80, s18, s17, $0x38;
	[tilespmem:$0x1EAA0] =	vst v63  }
0x253: {  	s0 =	sadd.s32 @!p1 s3, s0;
	s1 =	simm.s32 @!p1 $0x400;
	s18 =	simm.s32 @!p1 $0x4B00  }
0x254: {  	[tilespmem:s18], [sflag:$0x2] =	stream.strided.gather @!p1 [hbm4b:s0+s17], $0xC80, s1, s17, $0x38;
	[tilespmem:$0x1EAA0] =	vst v63  }
0x255: {  	_ =	swait.ge [sflag:s24], $0xC80  }
0x256: {  	[sflag:s24] =	ssyncset.done $0x0  }
0x257: {  	[sflag:s24] =	ssyncadd.s32 $0xFFFFF380  }
0x258: {  	_ =	swait.ge [sflag:s25], $0xC80  }
0x259: {  	[sflag:s25] =	ssyncset.done $0x0  }
0x25a: {  	s1 =	simm.s32 $0x2600;
	[sflag:s25] =	ssyncadd.s32 $0xFFFFF380  }
0x25b: {  	v1 =	vld [tilespmem:s1+$0x0];
	_ =	sdelay $0x1  }
0x25c: {  	s0 =	simm.s32 $0x5800  }
0x25d: {  	v2 =	vld [tilespmem:s0+$0x0];
	_ =	sdelay $0x3  }
0x25e: {  	v3 =	vld [tilespmem:s1+$0xFFFFFF80]  }
0x25f: {  	[tilespmem:v1+s26+$0x0] =	vst.idx.add.f32.msk $0xffff, v2  }
0x260: {  	v1 =	vld [tilespmem:s1+$0x10]  }
0x261: {  	v4 =	vld [tilespmem:s0+$0xFFFFFF80];
	_ =	sdelay $0x1  }
0x262: {  	v2 =	vld [tilespmem:s0+$0x10];
	_ =	sdelay $0x2  }
0x263: {  	[tilespmem:v3+s26+$0x0] =	vst.idx.add.f32.msk $0xffff, v4  }
0x264: {  	v3 =	vld [tilespmem:s1+$0xFFFFFF90]  }
0x265: {  	[tilespmem:v1+s26+$0x0] =	vst.idx.add.f32.msk $0xffff, v2  }
0x266: {  	v1 =	vld [tilespmem:s1+$0x20]  }
0x267: {  	v4 =	vld [tilespmem:s0+$0xFFFFFF90];
	_ =	sdelay $0x1  }
0x268: {  	v2 =	vld [tilespmem:s0+$0x20];
	_ =	sdelay $0x2  }
0x269: {  	[tilespmem:v3+s26+$0x0] =	vst.idx.add.f32.msk $0xffff, v4  }
0x26a: {  	v3 =	vld [tilespmem:s1+$0xFFFFFFA0]  }
0x26b: {  	[tilespmem:v1+s26+$0x0] =	vst.idx.add.f32.msk $0xffff, v2  }
0x26c: {  	v1 =	vld [tilespmem:s1+$0x30]  }
0x26d: {  	v4 =	vld [tilespmem:s0+$0xFFFFFFA0];
	_ =	sdelay $0x1  }
0x26e: {  	v2 =	vld [tilespmem:s0+$0x30]  }
0x26f: {  	s17 =	simm.s32 $0x2700  }
0x270: {  	v7 =	vld [tilespmem:s17+$0xFFFFFF80]  }
0x271: {  	[tilespmem:v3+s26+$0x0] =	vst.idx.add.f32.msk $0xffff, v4  }
0x272: {  	v3 =	vld [tilespmem:s1+$0xFFFFFFB0]  }
0x273: {  	[tilespmem:v1+s26+$0x0] =	vst.idx.add.f32.msk $0xffff, v2  }
0x274: {  	s18 =	simm.s32 $0x5900;
	v1 =	vld [tilespmem:s1+$0x40]  }
0x275: {  	v8 =	vld [tilespmem:s18+$0xFFFFFF80]  }
0x276: {  	v4 =	vld [tilespmem:s0+$0xFFFFFFB0]  }
0x277: {  	v2 =	vld [tilespmem:s0+$0x40];
	_ =	sdelay $0x1  }
0x278: {  	v5 =	vld [tilespmem:s17+$0x0]  }
0x279: {  	[tilespmem:v7+s26+$0x0] =	vst.idx.add.f32.msk $0xffff, v8  }
0x27a: {  	[tilespmem:v3+s26+$0x0] =	vst.idx.add.f32.msk $0xffff, v4  }
0x27b: {  	[tilespmem:v1+s26+$0x0] =	vst.idx.add.f32.msk $0xffff, v2  }
0x27c: {  	v2 =	vld [tilespmem:s18+$0x0]  }
0x27d: {  	v3 =	vld [tilespmem:s1+$0xFFFFFFC0]  }
0x27e: {  	v4 =	vld [tilespmem:s0+$0xFFFFFFC0]  }
0x27f: {  	v1 =	vld [tilespmem:s1+$0x50]  }
0x280: {  	v60 =	vld [tilespmem:s0+$0x50]  }
0x281: {  	[tilespmem:v5+s26+$0x0] =	vst.idx.add.f32.msk $0xffff, v2  }
0x282: {  	v5 =	vld [tilespmem:s17+$0xFFFFFF90]  }
0x283: {  	v2 =	vld [tilespmem:s17+$0x10]  }
0x284: {  	v61 =	vld [tilespmem:s18+$0xFFFFFF90]  }
0x285: {  	[tilespmem:v3+s26+$0x0] =	vst.idx.add.f32.msk $0xffff, v4  }
0x286: {  	v3 =	vld [tilespmem:s18+$0x10]  }
0x287: {  	[tilespmem:v1+s26+$0x0] =	vst.idx.add.f32.msk $0xffff, v60  }
0x288: {  	v1 =	vld [tilespmem:s1+$0x60]  }
0x289: {  	v4 =	vld [tilespmem:s0+$0x60]  }
0x28a: {  	[tilespmem:v5+s26+$0x0] =	vst.idx.add.f32.msk $0xffff, v61  }
0x28b: {  	[tilespmem:v2+s26+$0x0] =	vst.idx.add.f32.msk $0xffff, v3  }
0x28c: {  	v5 =	vld [tilespmem:s17+$0xFFFFFFA0]  }
0x28d: {  	v6 =	vld [tilespmem:s18+$0xFFFFFFA0]  }
0x28e: {  	v2 =	vld [tilespmem:s17+$0x20]  }
0x28f: {  	v3 =	vld [tilespmem:s18+$0x20]  }
0x290: {  	[tilespmem:v1+s26+$0x0] =	vst.idx.add.f32.msk $0xffff, v4  }
0x291: {  	v1 =	vld [tilespmem:s1+$0x70];
	_ =	sdelay $0x2  }
0x292: {  	v4 =	vld [tilespmem:s0+$0x70]  }
0x293: {  	[tilespmem:v5+s26+$0x0] =	vst.idx.add.f32.msk $0xffff, v6  }
0x294: {  	[tilespmem:v2+s26+$0x0] =	vst.idx.add.f32.msk $0xffff, v3  }
0x295: {  	v2 =	vld [tilespmem:s17+$0x30]  }
0x296: {  	v3 =	vld [tilespmem:s1+$0xFFFFFFD0]  }
0x297: {  	[tilespmem:v1+s26+$0x0] =	vst.idx.add.f32.msk $0xffff, v4  }
0x298: {  	v1 =	vld [tilespmem:s18+$0x30]  }
0x299: {  	v5 =	vld [tilespmem:s17+$0xFFFFFFB0]  }
0x29a: {  	v4 =	vld [tilespmem:s0+$0xFFFFFFD0];
	_ =	sdelay $0x1  }
0x29b: {  	v6 =	vld [tilespmem:s18+$0xFFFFFFB0]  }
0x29c: {  	[tilespmem:v2+s26+$0x0] =	vst.idx.add.f32.msk $0xffff, v1  }
0x29d: {  	v62 =	vld [tilespmem:s17+$0x40]  }
0x29e: {  	[tilespmem:v3+s26+$0x0] =	vst.idx.add.f32.msk $0xffff, v4  }
0x29f: {  	v4 =	vld [tilespmem:s1+$0xFFFFFFE0]  }
0x2a0: {  	v3 =	vld [tilespmem:s18+$0x40]  }
0x2a1: {  	[tilespmem:v5+s26+$0x0] =	vst.idx.add.f32.msk $0xffff, v6  }
0x2a2: {  	v63 =	vld [tilespmem:s0+$0xFFFFFFE0]  }
0x2a3: {  	v1 =	vld [tilespmem:s17+$0xFFFFFFC0]  }
0x2a4: {  	v2 =	vld [tilespmem:s18+$0xFFFFFFC0]  }
0x2a5: {  	[tilespmem:v62+s26+$0x0] =	vst.idx.add.f32.msk $0xffff, v3  }
0x2a6: {  	v3 =	vld [tilespmem:s17+$0x50]  }
0x2a7: {  	s20 =	simm.s32 $0x2;
	s21 =	simm.s32 $0x2800;
	s19 =	simm.s32 $0x5900;
	[tilespmem:v4+s26+$0x0] =	vst.idx.add.f32.msk $0xffff, v63  }
.LBB2_11:
0x2a8: {  	v4 =	vld [tilespmem:s21+$0x0]  }
0x2a9: {  	s20 =	sadd.s32 $0x2, s20;
	v5 =	vld [tilespmem:s18+$0x50]  }
0x2aa: {  	p2 =	slt.u32 s20, $0x16;
	s18 =	sadd.s32 $0x100, s18;
	v6 =	vld [tilespmem:s21+$0xFFFFFF80]  }
0x2ab: {  	v7 =	vld [tilespmem:s18+$0x0]  }
0x2ac: {  	v8 =	vld [tilespmem:s18+$0xFFFFFF80]  }
0x2ad: {  	[tilespmem:v1+s26+$0x0] =	vst.idx.add.f32.msk $0xffff, v2  }
0x2ae: {  	[tilespmem:v3+s26+$0x0] =	vst.idx.add.f32.msk $0xffff, v5  }
0x2af: {  	v1 =	vld [tilespmem:s17+$0x60]  }
0x2b0: {  	[tilespmem:v4+s26+$0x0] =	vst.idx.add.f32.msk $0xffff, v7  }
0x2b1: {  	v2 =	vld [tilespmem:s21+$0x10]  }
0x2b2: {  	v3 =	vld [tilespmem:s19+$0x60]  }
0x2b3: {  	[tilespmem:v6+s26+$0x0] =	vst.idx.add.f32.msk $0xffff, v8  }
0x2b4: {  	v4 =	vld [tilespmem:s18+$0x10]  }
0x2b5: {  	v5 =	vld [tilespmem:s21+$0xFFFFFF90]  }
0x2b6: {  	v6 =	vld [tilespmem:s18+$0xFFFFFF90]  }
0x2b7: {  	[tilespmem:v1+s26+$0x0] =	vst.idx.add.f32.msk $0xffff, v3  }
0x2b8: {  	v1 =	vld [tilespmem:s17+$0x70]  }
0x2b9: {  	[tilespmem:v2+s26+$0x0] =	vst.idx.add.f32.msk $0xffff, v4  }
0x2ba: {  	v2 =	vld [tilespmem:s21+$0x20]  }
0x2bb: {  	v3 =	vld [tilespmem:s19+$0x70]  }
0x2bc: {  	v4 =	vld [tilespmem:s17+$0xFFFFFFD0]  }
0x2bd: {  	[tilespmem:v5+s26+$0x0] =	vst.idx.add.f32.msk $0xffff, v6  }
0x2be: {  	v5 =	vld [tilespmem:s18+$0x20]  }
0x2bf: {  	v6 =	vld [tilespmem:s21+$0xFFFFFFA0]  }
0x2c0: {  	[tilespmem:v1+s26+$0x0] =	vst.idx.add.f32.msk $0xffff, v3  }
0x2c1: {  	v1 =	vld [tilespmem:s18+$0xFFFFFFA0]  }
0x2c2: {  	v3 =	vld [tilespmem:s19+$0xFFFFFFD0]  }
0x2c3: {  	[tilespmem:v2+s26+$0x0] =	vst.idx.add.f32.msk $0xffff, v5  }
0x2c4: {  	v2 =	vld [tilespmem:s21+$0x30]  }
0x2c5: {  	v5 =	vld [tilespmem:s1+$0xFFFFFFF0];
	s1 =	smov.u32 s17;
	s17 =	smov.u32 s21  }
0x2c6: {  	v7 =	vld [tilespmem:s0+$0xFFFFFFF0];
	s0 =	smov.u32 s19;
	s19 =	smov.u32 s18  }
0x2c7: {  	v8 =	vld [tilespmem:s18+$0x30]  }
0x2c8: {  	[tilespmem:v6+s26+$0x0] =	vst.idx.add.f32.msk $0xffff, v1  }
0x2c9: {  	v1 =	vld [tilespmem:s21+$0xFFFFFFB0]  }
0x2ca: {  	v6 =	vld [tilespmem:s18+$0xFFFFFFB0]  }
0x2cb: {  	[tilespmem:v4+s26+$0x0] =	vst.idx.add.f32.msk $0xffff, v3  }
0x2cc: {  	[tilespmem:v2+s26+$0x0] =	vst.idx.add.f32.msk $0xffff, v8  }
0x2cd: {  	v3 =	vld [tilespmem:s21+$0x40]  }
0x2ce: {  	v4 =	vld [tilespmem:s1+$0xFFFFFFE0]  }
0x2cf: {  	v8 =	vld [tilespmem:s0+$0xFFFFFFE0]  }
0x2d0: {  	v9 =	vld [tilespmem:s18+$0x40]  }
0x2d1: {  	[tilespmem:v1+s26+$0x0] =	vst.idx.add.f32.msk $0xffff, v6  }
0x2d2: {  	v1 =	vld [tilespmem:s21+$0xFFFFFFC0]  }
.Ltmp6:
0x2d3: {  	v2 =	vld [tilespmem:s18+$0xFFFFFFC0];
	(pc) =	sbr.rel @p2 .LBB2_11-.Ltmp6, $4  }
0x2d4: {  	[tilespmem:v5+s26+$0x0] =	vst.idx.add.f32.msk $0xffff, v7  }
0x2d5: {  	[tilespmem:v3+s26+$0x0] =	vst.idx.add.f32.msk $0xffff, v9  }
0x2d6: {  	v3 =	vld [tilespmem:s21+$0x50]  }
0x2d7: {  	s21 =	sadd.s32 $0x100, s21;
	[tilespmem:v4+s26+$0x0] =	vst.idx.add.f32.msk $0xffff, v8  }
0x2d8: {  	_ =	sdelay $0x3  }
0x2d9: {  	[tilespmem:v1+s26+$0x0] =	vst.idx.add.f32.msk $0xffff, v2  }
0x2da: {  	v1 =	vld [tilespmem:s17+$0xFFFFFFD0]  }
0x2db: {  	v4 =	vld [tilespmem:s18+$0x50];
	_ =	sdelay $0x1  }
0x2dc: {  	v2 =	vld [tilespmem:s19+$0xFFFFFFD0];
	_ =	sdelay $0x2  }
0x2dd: {  	[tilespmem:v3+s26+$0x0] =	vst.idx.add.f32.msk $0xffff, v4  }
0x2de: {  	v3 =	vld [tilespmem:s17+$0x60]  }
0x2df: {  	[tilespmem:v1+s26+$0x0] =	vst.idx.add.f32.msk $0xffff, v2  }
0x2e0: {  	v1 =	vld [tilespmem:s17+$0xFFFFFFE0]  }
0x2e1: {  	v4 =	vld [tilespmem:s19+$0x60];
	_ =	sdelay $0x1  }
0x2e2: {  	v2 =	vld [tilespmem:s19+$0xFFFFFFE0];
	_ =	sdelay $0x1  }
0x2e3: {  	v63 =	vld [tilespmem:s1+$0xFFFFFFF0]  }
0x2e4: {  	[tilespmem:v3+s26+$0x0] =	vst.idx.add.f32.msk $0xffff, v4  }
0x2e5: {  	v3 =	vld [tilespmem:s17+$0x70]  }
0x2e6: {  	[tilespmem:v1+s26+$0x0] =	vst.idx.add.f32.msk $0xffff, v2  }
0x2e7: {  	v1 =	vld [tilespmem:s17+$0xFFFFFFF0]  }
0x2e8: {  	v5 =	vld [tilespmem:s0+$0xFFFFFFF0]  }
0x2e9: {  	v2 =	vld [tilespmem:s19+$0x70]  }
0x2ea: {  	v6 =	vld [tilespmem:s19+$0xFFFFFFF0];
	_ =	sdelay $0x2  }
0x2eb: {  	[tilespmem:v63+s26+$0x0] =	vst.idx.add.f32.msk $0xffff, v5  }
0x2ec: {  	[tilespmem:v3+s26+$0x0] =	vst.idx.add.f32.msk $0xffff, v2  }
0x2ed: {  	[tilespmem:v1+s26+$0x0] =	vst.idx.add.f32.msk $0xffff, v6  }
0x2ee: {  	v1 =	vld [tilespmem:$0x3180];
	_ =	sdelay $0x2  }
0x2ef: {  	v2 =	vld [tilespmem:$0x6380];
	_ =	sdelay $0x4  }
0x2f0: {  	[tilespmem:v1+s26+$0x0] =	vst.idx.add.f32.msk $0xffff, v2  }
0x2f1: {  	v1 =	vld [tilespmem:$0x3190];
	_ =	sdelay $0x2  }
0x2f2: {  	v2 =	vld [tilespmem:$0x6390];
	_ =	sdelay $0x4  }
0x2f3: {  	[tilespmem:v1+s26+$0x0] =	vst.idx.add.f32.msk $0xffff, v2  }
0x2f4: {  	v1 =	vld [tilespmem:$0x31A0];
	_ =	sdelay $0x2  }
0x2f5: {  	v2 =	vld [tilespmem:$0x63A0];
	_ =	sdelay $0x4  }
0x2f6: {  	[tilespmem:v1+s26+$0x0] =	vst.idx.add.f32.msk $0xffff, v2  }
0x2f7: {  	v1 =	vld [tilespmem:$0x31B0];
	_ =	sdelay $0x2  }
0x2f8: {  	v2 =	vld [tilespmem:$0x63B0];
	_ =	sdelay $0x4  }
0x2f9: {  	[tilespmem:v1+s26+$0x0] =	vst.idx.add.f32.msk $0xffff, v2  }
0x2fa: {  	v1 =	vld [tilespmem:$0x31C0];
	_ =	sdelay $0x2  }
0x2fb: {  	v2 =	vld [tilespmem:$0x63C0];
	_ =	sdelay $0x4  }
0x2fc: {  	[tilespmem:v1+s26+$0x0] =	vst.idx.add.f32.msk $0xffff, v2  }
0x2fd: {  	v1 =	vld [tilespmem:$0x31D0];
	_ =	sdelay $0x2  }
0x2fe: {  	v2 =	vld [tilespmem:$0x63D0];
	_ =	sdelay $0x4  }
0x2ff: {  	[tilespmem:v1+s26+$0x0] =	vst.idx.add.f32.msk $0xffff, v2  }
0x300: {  	v1 =	vld [tilespmem:$0x31E0];
	_ =	sdelay $0x2  }
0x301: {  	v2 =	vld [tilespmem:$0x63E0];
	_ =	sdelay $0x4  }
0x302: {  	[tilespmem:v1+s26+$0x0] =	vst.idx.add.f32.msk $0xffff, v2  }
0x303: {  	v1 =	vld [tilespmem:$0x31F0];
	_ =	sdelay $0x2  }
0x304: {  	v2 =	vld [tilespmem:$0x63F0]  }
.Ltmp7:
0x305: {  	_ = 	snop;
	(pc) =	sbr.rel @p1 .LBB2_14-.Ltmp7, $2  }
0x306: {  	_ =	sdelay $0x2  }
0x307: {  	[tilespmem:v1+s26+$0x0] =	vst.idx.add.f32.msk $0xffff, v2  }
0x308: {  	s0 =	sadd.s32 $0x7, s31  }
0x309: {  	s1 =	smul.u32 $0x320, s0  }
0x30a: {  	s0 =	smul.u32 $0x6400, s0;
	_ =	sdelay $0x1  }
.Ltmp8:
0x30b: {  	s1 =	sadd.s32 s1, s11;
	s0 =	sadd.s32 s5, s0;
	(pc) =	sbr.rel .LBB2_4-.Ltmp8, $4  }
0x30c: {  	[tilespmem:s22], [sflag:$0x1] =	stream.strided.gather [hbm4b:s1+s14], $0xC80, s15, s14, $0x38;
	[tilespmem:$0x1EAA0] =	vst v63  }
0x30d: {  	s0 =	sshrl.u32 s0, $0x3  }
0x30e: {  	s30 =	sadd.s32 $0x1, s30;
	s0 =	sadd.s32 s3, s0  }
0x30f: {  	[tilespmem:s23], [sflag:$0x2] =	stream.strided.gather [hbm4b:s0+s14], $0xC80, s16, s14, $0x38;
	[tilespmem:$0x1EAA0] =	vst v63  }
.LBB2_15:
0x310: {  	_ =	sfence.sel $0x180000  }
0x311: {  	[bflag:$0x0] =	sbarrier.arrive $0xFFFF  }
0x312: {  	_ =	strace $0x90000047  }
0x313: {  	s0 =	stileid.u32;
	[bflag:$0x2] =	sbarrier.arrive $0xFFFF  }
0x314: {  	p0 =	sne.s32 s0, $0x0;
	s0 =	rddreg [dreg:$0x4]  }
0x315: {  	s0 =	sadd.s32 @!p0 $0x100000, s0  }
0x316: {  	[sflag:s0] =	ssyncadd.tile.s32 @!p0 $0x1;
	_ =	shalt  }
.Lfunc_end2:
_tile_overlayer_lowered:
.L_overlay_start_2:
0x317: {  	(tag) =	ssettag $0x2  }
0x318: {  	s0 =	rddreg [dreg:$0x0];
	s2 =	stileid.u32  }
0x319: {  	s1 =	rddreg [dreg:$0x1];
	p0 =	sne.s32 s2, $0x0  }
0x31a: {  	s3 =	rddreg [dreg:$0x2];
	[bflag:$0x3] =	sbarrier.arrive $0xFFFF;
	s2 =	simm.s32 @!p0 $0x1C03  }
0x31b: {  	[timem:s3], [sflag:s2] =	dma.local @!p0 [hbm:s0], s1  }
0x31c: {  	s0 =	simm.s32 @!p0 $0x3  }
0x31d: {  	_ =	swait.ge @!p0 [sflag:s0], s1  }
0x31e: {  	s1 =	ssub.s32 @!p0 $0x0, s1;
	[sflag:s0] =	ssyncset.done @!p0 $0x0  }
0x31f: {  	[sflag:s0] =	ssyncadd.s32 @!p0 s1  }
0x320: {  	[bflag:$0x3] =	sbarrier.arrive $0xFFFF  }
0x321: {  	_ =	shalt  }

</sc_bundles>
